<compile_context>
chip_gen: v7x
topology: tpu7x:2x2x1
jax: 0.10.2.dev20260603
libtpu: 0.0.44.dev20260713+nightly
codegen_flags: <defaults>
</compile_context>

<pallas_src>
import jax
import jax.numpy as jnp
from jax import lax
from jax.experimental import pallas as pl
from jax.experimental.pallas import tpu as pltpu
from jax.experimental.pallas import tpu_sc as plsc

_N = 883
_NP = 896
_E = 28256
_H = 256
_RPT = _NP // 16
_DIN = 1408


def _sc_adj_body(src_hbm, dst_hbm, out_hbm, src_v, dst_v, acc_v):
    wid = lax.axis_index("s")
    row0 = wid * _RPT
    pltpu.sync_copy(src_hbm, src_v)
    pltpu.sync_copy(dst_hbm, dst_v)

    zeros16 = jnp.zeros((16,), jnp.float32)
    zun = 8

    def zero_body(i, c):
        base = i * (16 * zun)
        for k in range(zun):
            acc_v[pl.ds(base + 16 * k, 16)] = zeros16
        return c

    lax.fori_loop(0, _RPT * _NP // (16 * zun), zero_body, 0)

    ones16 = jnp.full((16,), 1.0, jnp.float32)

    def scatter16(off):
        d16 = dst_v[pl.ds(off, 16)]
        s16 = src_v[pl.ds(off, 16)]
        rel = d16 - row0
        msk = (rel >= 0) & (rel < _RPT)
        flat = rel * _NP + s16
        plsc.addupdate_scatter(acc_v, [flat], ones16, mask=msk)

    eun = 8
    nmain = _E // (16 * eun)

    def edge_body(i, c):
        base = i * (16 * eun)
        for k in range(eun):
            scatter16(base + 16 * k)
        return c

    lax.fori_loop(0, nmain, edge_body, 0)
    for off in range(nmain * 16 * eun, _E, 16):
        scatter16(off)
    pltpu.sync_copy(acc_v, out_hbm.at[pl.ds(row0 * _NP, _RPT * _NP)])


def _build_adjacency(src, dst):
    mesh = plsc.VectorSubcoreMesh(core_axis_name="c", subcore_axis_name="s",
                                  num_cores=1)
    fn = pl.kernel(
        _sc_adj_body,
        out_type=jax.ShapeDtypeStruct((_NP * _NP,), jnp.float32),
        mesh=mesh,
        scratch_types=[
            pltpu.VMEM((_E,), jnp.int32),
            pltpu.VMEM((_E,), jnp.int32),
            pltpu.VMEM((_RPT * _NP,), jnp.float32),
        ],
        compiler_params=pltpu.CompilerParams(needs_layout_passes=False),
    )
    return fn(src, dst).reshape(_NP, _NP)


def _dot(a, b):
    return jnp.dot(a, b, preferred_element_type=jnp.float32)


def _tc_body(a_ref, esmw_ref, esmm_ref, sf_ref, mask_ref,
             ws1_ref, ws2_ref, wg1_ref, b1_ref, wg2_ref, b2_ref,
             wd_ref, bd_ref, wm_ref, bm_ref,
             wp_ref, bp_ref, wdr_ref, bdr_ref, wmg_ref, bmg_ref,
             wc_ref, bc_ref,
             z_ref, probs_ref, cat_ref, dirs_ref, mags_ref, dom_ref,
             an_scr, cs_scr):
    b = pl.program_id(0)

    @pl.when(b == 0)
    def _prep():
        a = a_ref[...]
        deg = jnp.maximum(jnp.sum(a, axis=1, keepdims=True), 1.0)
        a_n = a / deg
        an_scr[...] = a_n
        s1 = jnp.maximum(_dot(sf_ref[...], ws1_ref[...]), 0.0)
        s2 = jnp.maximum(_dot(s1, ws2_ref[...]), 0.0)
        cs_scr[...] = (_dot(s2, wg1_ref[1280:_DIN])
                       + _dot(a_n, _dot(s2, wg1_ref[_DIN + 1280:2 * _DIN]))
                       + b1_ref[...])

    a_n = an_scr[...]
    c_s = cs_scr[...]

    def pad_rows(x):
        npad = _NP - x.shape[0]
        if npad:
            x = jnp.concatenate(
                [x, jnp.zeros((npad, x.shape[1]), jnp.float32)], axis=0)
        return x

    def run_gnn(esm):
        u1 = pad_rows(_dot(esm, wg1_ref[0:1280]))
        t = pad_rows(_dot(esm, wg1_ref[_DIN:_DIN + 1280]))
        h1 = jnp.maximum(u1 + _dot(a_n, t) + c_s, 0.0)
        h2 = jnp.maximum(_dot(h1, wg2_ref[0:_H])
                         + _dot(a_n, _dot(h1, wg2_ref[_H:2 * _H]))
                         + b2_ref[...], 0.0)
        return h2

    h_wt = run_gnn(esmw_ref[0])
    h_mut = run_gnn(esmm_ref[0])
    colmask = (lax.broadcasted_iota(jnp.int32, (_NP, 1), 0)
               < _N).astype(jnp.float32)
    d = (h_mut - h_wt) * colmask

    mrow = mask_ref[0]
    msum = jnp.maximum(jnp.sum(mrow), 1.0)
    local = _dot(mrow, d) / msum
    onesrow = (lax.broadcasted_iota(jnp.int32, (1, _NP), 1)
               < _N).astype(jnp.float32)
    glob = _dot(onesrow, d) / float(_N)

    zrow = jnp.maximum(_dot(local, wd_ref[0:_H])
                       + _dot(glob, wd_ref[_H:2 * _H]) + bd_ref[...], 0.0)
    z_ref[0] = zrow

    hm = jnp.concatenate(
        [jnp.maximum(_dot(zrow, wm_ref[m]) + bm_ref[m:m + 1], 0.0)
         for m in range(8)], axis=0)
    onescol = jnp.ones((128, 1), jnp.float32)
    pr = _dot(hm * wp_ref[...], onescol) + bp_ref[...]
    probs_ref[0] = 1.0 / (1.0 + jnp.exp(-pr))
    dirs_ref[0] = _dot(hm * wdr_ref[...], onescol) + bdr_ref[...]
    mg = _dot(hm * wmg_ref[...], onescol) + bmg_ref[...]
    mags_ref[0] = jnp.maximum(mg, 0.0) + jnp.log1p(jnp.exp(-jnp.abs(mg)))

    cat = _dot(zrow, wc_ref[...]) + bc_ref[...]
    cat_ref[0] = cat
    mx = jnp.max(cat, axis=1, keepdims=True)
    idx = lax.broadcasted_iota(jnp.int32, (1, 8), 1)
    dom_ref[0] = jnp.min(jnp.where(cat >= mx, idx, jnp.int32(2**30)),
                         axis=1, keepdims=True)


def _full(shape):
    nd = len(shape)
    return pl.BlockSpec(shape, lambda b, _nd=nd: (0,) * _nd)


def _tc_call(adj, esm_wt, esm_mut, sfp, maskp, ws1, ws2, wg1, b1, wg2, b2,
             wd, bd, wm, bm, wp, bp, wdr, bdr, wmg, bmg, wc, bc):
    B = esm_wt.shape[0]
    n = esm_wt.shape[1]
    weights = (ws1, ws2, wg1, b1, wg2, b2, wd, bd, wm, bm,
               wp, bp, wdr, bdr, wmg, bmg, wc, bc)
    in_specs = [
        _full((_NP, _NP)),
        pl.BlockSpec((1, n, 1280), lambda b: (b, 0, 0)),
        pl.BlockSpec((1, n, 1280), lambda b: (b, 0, 0)),
        _full(sfp.shape),
        pl.BlockSpec((1, 1, _NP), lambda b: (b, 0, 0)),
    ] + [_full(w.shape) for w in weights]
    out_shape = (
        jax.ShapeDtypeStruct((B, 1, _H), jnp.float32),
        jax.ShapeDtypeStruct((B, 8, 1), jnp.float32),
        jax.ShapeDtypeStruct((B, 1, 8), jnp.float32),
        jax.ShapeDtypeStruct((B, 8, 1), jnp.float32),
        jax.ShapeDtypeStruct((B, 8, 1), jnp.float32),
        jax.ShapeDtypeStruct((B, 1, 1), jnp.int32),
    )
    out_specs = (
        pl.BlockSpec((1, 1, _H), lambda b: (b, 0, 0)),
        pl.BlockSpec((1, 8, 1), lambda b: (b, 0, 0)),
        pl.BlockSpec((1, 1, 8), lambda b: (b, 0, 0)),
        pl.BlockSpec((1, 8, 1), lambda b: (b, 0, 0)),
        pl.BlockSpec((1, 8, 1), lambda b: (b, 0, 0)),
        pl.BlockSpec((1, 1, 1), lambda b: (b, 0, 0)),
    )
    return pl.pallas_call(
        _tc_body,
        grid=(B,),
        in_specs=in_specs,
        out_specs=out_specs,
        out_shape=out_shape,
        scratch_shapes=[
            pltpu.VMEM((_NP, _NP), jnp.float32),
            pltpu.VMEM((_NP, _H), jnp.float32),
        ],
        compiler_params=pltpu.CompilerParams(
            dimension_semantics=("arbitrary",)),
    )(adj, esm_wt, esm_mut, sfp, maskp, *weights)


def kernel(esm_wt, esm_mut, struct_feat, edge_index, mutation_mask,
           W_s1, b_s1, W_s2, b_s2, W_g1, b_g1, W_g2, b_g2, W_d, b_d,
           W_m, b_m, w_prob, b_prob, w_dir, b_dir, w_mag, b_mag, W_c, b_c):
    B = esm_wt.shape[0]
    pad = _NP - _N

    adj = _build_adjacency(edge_index[0], edge_index[1])

    sfp = jnp.pad(struct_feat, ((0, pad), (0, 0)))
    maskp = jnp.pad(mutation_mask, ((0, 0), (0, pad))).reshape(B, 1, _NP)

    r2 = lambda x: x.reshape(1, -1)
    c2 = lambda x: x.reshape(-1, 1)
    outs = _tc_call(
        adj, esm_wt, esm_mut, sfp, maskp,
        W_s1, W_s2, W_g1, r2(b_g1), W_g2, r2(b_g2), W_d, r2(b_d),
        W_m, b_m, w_prob, c2(b_prob), w_dir, c2(b_dir), w_mag, c2(b_mag),
        W_c, r2(b_c))
    z, probs, cat, dirs, mags, dom = outs
    return (z.reshape(B, _H), probs.reshape(B, 8), cat.reshape(B, 8),
            dirs.reshape(B, 8), mags.reshape(B, 8), dom.reshape(B))

# --- scband reference (transcript-rebuilt; emitter-appended) ---
"""Pipeline reference for scband-t7-rnapmech-classifier-30734785970926 (READ-ONLY COPY).

The authoritative reference and input builder live on the scoring server;
editing this copy changes nothing except your own understanding.
"""

import jax, jax.numpy as jnp
import numpy as np

B, N, E = 4, 883, 28256
ESM, SD, H, M = 1280, 20, 256, 8

def setup_inputs(seed: int = 0):
    key = jax.random.key(seed)
    ks = jax.random.split(key, 32)
    s = 0.02
    inp = {}
    inp["esm_wt"] = jax.random.normal(ks[0], (B, N, ESM), dtype=jnp.float32)
    inp["esm_mut"] = jax.random.normal(ks[1], (B, N, ESM), dtype=jnp.float32)
    inp["struct_feat"] = jax.random.normal(ks[2], (N, SD), dtype=jnp.float32)
    inp["edge_index"] = jax.random.randint(ks[3], (2, E), 0, N, dtype=jnp.int32)
    inp["mutation_mask"] = jax.random.randint(ks[4], (B, N), 0, 2).astype(jnp.float32)
    inp["W_s1"] = jax.random.normal(ks[5], (SD, H // 2), dtype=jnp.float32) * s
    inp["b_s1"] = jnp.zeros((H // 2,), jnp.float32)
    inp["W_s2"] = jax.random.normal(ks[6], (H // 2, H // 2), dtype=jnp.float32) * s
    inp["b_s2"] = jnp.zeros((H // 2,), jnp.float32)
    din = ESM + H // 2
    inp["W_g1"] = jax.random.normal(ks[7], (2 * din, H), dtype=jnp.float32) * s
    inp["b_g1"] = jnp.zeros((H,), jnp.float32)
    inp["W_g2"] = jax.random.normal(ks[8], (2 * H, H), dtype=jnp.float32) * s
    inp["b_g2"] = jnp.zeros((H,), jnp.float32)
    inp["W_d"] = jax.random.normal(ks[9], (2 * H, H), dtype=jnp.float32) * s
    inp["b_d"] = jnp.zeros((H,), jnp.float32)
    inp["W_m"] = jax.random.normal(ks[10], (M, H, H // 2), dtype=jnp.float32) * s
    inp["b_m"] = jnp.zeros((M, H // 2), jnp.float32)
    inp["w_prob"] = jax.random.normal(ks[11], (M, H // 2), dtype=jnp.float32) * s
    inp["b_prob"] = jnp.zeros((M,), jnp.float32)
    inp["w_dir"] = jax.random.normal(ks[12], (M, H // 2), dtype=jnp.float32) * s
    inp["b_dir"] = jnp.zeros((M,), jnp.float32)
    inp["w_mag"] = jax.random.normal(ks[13], (M, H // 2), dtype=jnp.float32) * s
    inp["b_mag"] = jnp.zeros((M,), jnp.float32)
    inp["W_c"] = jax.random.normal(ks[14], (H, M), dtype=jnp.float32) * s
    inp["b_c"] = jnp.zeros((M,), jnp.float32)
    return inp

def reference(esm_wt, esm_mut, struct_feat, edge_index, mutation_mask, W_s1, b_s1, W_s2, b_s2, W_g1, b_g1, W_g2, b_g2, W_d, b_d, W_m, b_m, w_prob, b_prob, w_dir, b_dir, w_mag, b_mag, W_c, b_c):
    src, dst = edge_index[0], edge_index[1]
    deg = jnp.clip(jax.ops.segment_sum(jnp.ones((E,), jnp.float32), dst, num_segments=N), 1.0)
    # StructuralFeatureEncoder: 2-layer MLP, shared across batch
    s = jax.nn.relu(struct_feat @ W_s1 + b_s1)
    s = jax.nn.relu(s @ W_s2 + b_s2)

    def gnn(x):
        # SimpleGNN: num_gnn_layers GraphSAGE-mean layers (gather neighbors, scatter-add, mean by degree)
        for W, b in ((W_g1, b_g1), (W_g2, b_g2)):
            agg = jax.ops.segment_sum(jnp.take(x, src, axis=0), dst, num_segments=N) / deg[:, None]
            x = jax.nn.relu(jnp.concatenate([x, agg], axis=-1) @ W + b)
        return x

    def encode_and_delta(ew, em, mask):
        h_wt = gnn(jnp.concatenate([ew, s], axis=-1))
        h_mut = gnn(jnp.concatenate([em, s], axis=-1))
        d = h_mut - h_wt
        local = jnp.sum(d * mask[:, None], axis=0) / jnp.clip(jnp.sum(mask), 1.0)
        glob = jnp.mean(d, axis=0)
        return jax.nn.relu(jnp.concatenate([local, glob], axis=-1) @ W_d + b_d)

    z = jax.vmap(encode_and_delta)(esm_wt, esm_mut, mutation_mask)
    # MechanismDisentanglementModule: per-mechanism heads
    hm = jax.nn.relu(jnp.einsum('bd,mdh->bmh', z, W_m) + b_m)
    probs = jax.nn.sigmoid(jnp.einsum('bmh,mh->bm', hm, w_prob) + b_prob)
    dirs = jnp.einsum('bmh,mh->bm', hm, w_dir) + b_dir
    mags = jax.nn.softplus(jnp.einsum('bmh,mh->bm', hm, w_mag) + b_mag)
    cat_logits = z @ W_c + b_c
    dominant = jnp.argmax(cat_logits, axis=-1)
    return (z, probs, cat_logits, dirs, mags, dominant)

if __name__ == "__main__":
    import jax
    _d = setup_inputs()
    print(jax.jit(kernel)(*tuple(_d.values())))

</pallas_src>

<mosaic_0001>
#map = affine_map<(d0, d1) -> (0)>
module attributes {stable_mosaic.version = 14 : i64} {
  func.func @_sc_adj_body(%arg0: i32, %arg1: i32, %arg2: memref<28256xi32, #tpu.memory_space<hbm>>, %arg3: memref<28256xi32, #tpu.memory_space<hbm>>, %arg4: memref<802816xf32, #tpu.memory_space<hbm>>, %arg5: memref<28256xi32, #tpu.memory_space<vmem>>, %arg6: memref<28256xi32, #tpu.memory_space<vmem>>, %arg7: memref<50176xf32, #tpu.memory_space<vmem>>) attributes {dimension_semantics = [#tpu.dimension_semantics<core_parallel>, #tpu.dimension_semantics<subcore_parallel>], iteration_bounds = array<i64: 1, 16>, scalar_prefetch = 0 : i64, scratch_operands = 3 : i64, tpu.core_type = #tpu.core_type<sc_vector_subcore>, window_params = [{transform_indices = #map}, {transform_indices = #map}, {transform_indices = #map}]} {
    %mul3A = arith.constant 56 : i32
    %mul3A_0 = arith.muli %arg1, %mul3A : i32
    "tpu.region"() ({
      %run_scoped3A = tpu.sem_alloc : memref<!tpu.dma_semaphore, #tpu.memory_space<semaphore_mem>>
      tpu.enqueue_dma source(%arg2 : memref<28256xi32, #tpu.memory_space<hbm>>) target(%arg5 : memref<28256xi32, #tpu.memory_space<vmem>>) target_semaphore(%run_scoped3A : memref<!tpu.dma_semaphore, #tpu.memory_space<semaphore_mem>>)
      tpu.wait_dma2 semaphore(%run_scoped3A : memref<!tpu.dma_semaphore, #tpu.memory_space<semaphore_mem>>) src(%arg2 : memref<28256xi32, #tpu.memory_space<hbm>>) dst(%arg5 : memref<28256xi32, #tpu.memory_space<vmem>>)
      tpu.yield
    }) : () -> ()
    "tpu.region"() ({
      %run_scoped3A = tpu.sem_alloc : memref<!tpu.dma_semaphore, #tpu.memory_space<semaphore_mem>>
      tpu.enqueue_dma source(%arg3 : memref<28256xi32, #tpu.memory_space<hbm>>) target(%arg6 : memref<28256xi32, #tpu.memory_space<vmem>>) target_semaphore(%run_scoped3A : memref<!tpu.dma_semaphore, #tpu.memory_space<semaphore_mem>>)
      tpu.wait_dma2 semaphore(%run_scoped3A : memref<!tpu.dma_semaphore, #tpu.memory_space<semaphore_mem>>) src(%arg3 : memref<28256xi32, #tpu.memory_space<hbm>>) dst(%arg6 : memref<28256xi32, #tpu.memory_space<vmem>>)
      tpu.yield
    }) : () -> ()
    %broadcast_in_dim3A = arith.constant 0.000000e+00 : f32
    %broadcast_in_dim3A_1 = vector.broadcast %broadcast_in_dim3A : f32 to vector<16xf32>
    %scan3A = arith.constant 0 : i32
    %scan3A_2 = arith.constant 0 : i32
    %scan3A_3 = arith.constant 392 : i32
    %scan3A_4 = arith.addi %scan3A_2, %scan3A_3 : i32
    %scan3A_5 = arith.constant 1 : i32
    scf.for %scan3A_113 = %scan3A_2 to %scan3A_4 step %scan3A_5  : i32 {
      %mul3A_114 = arith.constant 128 : i32
      %mul3A_115 = arith.muli %scan3A_113, %mul3A_114 : i32
      %add3A_116 = arith.constant 0 : i32
      %add3A_117 = arith.addi %mul3A_115, %add3A_116 : i32
      %swap3A = arith.index_cast %add3A_117 : i32 to index
      %swap3A_118 = tpu.vector_load %arg7[%swap3A] {strides = array<i32>} : memref<50176xf32, #tpu.memory_space<vmem>>, vector<16xf32>,
      tpu.vector_store %arg7[%swap3A], %broadcast_in_dim3A_1 {strides = array<i32>} : memref<50176xf32, #tpu.memory_space<vmem>>, vector<16xf32>,
      %add3A_119 = arith.constant 16 : i32
      %add3A_120 = arith.addi %mul3A_115, %add3A_119 : i32
      %swap3A_121 = arith.index_cast %add3A_120 : i32 to index
      %swap3A_122 = tpu.vector_load %arg7[%swap3A_121] {strides = array<i32>} : memref<50176xf32, #tpu.memory_space<vmem>>, vector<16xf32>,
      tpu.vector_store %arg7[%swap3A_121], %broadcast_in_dim3A_1 {strides = array<i32>} : memref<50176xf32, #tpu.memory_space<vmem>>, vector<16xf32>,
      %add3A_123 = arith.constant 32 : i32
      %add3A_124 = arith.addi %mul3A_115, %add3A_123 : i32
      %swap3A_125 = arith.index_cast %add3A_124 : i32 to index
      %swap3A_126 = tpu.vector_load %arg7[%swap3A_125] {strides = array<i32>} : memref<50176xf32, #tpu.memory_space<vmem>>, vector<16xf32>,
      tpu.vector_store %arg7[%swap3A_125], %broadcast_in_dim3A_1 {strides = array<i32>} : memref<50176xf32, #tpu.memory_space<vmem>>, vector<16xf32>,
      %add3A_127 = arith.constant 48 : i32
      %add3A_128 = arith.addi %mul3A_115, %add3A_127 : i32
      %swap3A_129 = arith.index_cast %add3A_128 : i32 to index
      %swap3A_130 = tpu.vector_load %arg7[%swap3A_129] {strides = array<i32>} : memref<50176xf32, #tpu.memory_space<vmem>>, vector<16xf32>,
      tpu.vector_store %arg7[%swap3A_129], %broadcast_in_dim3A_1 {strides = array<i32>} : memref<50176xf32, #tpu.memory_space<vmem>>, vector<16xf32>,
      %add3A_131 = arith.constant 64 : i32
      %add3A_132 = arith.addi %mul3A_115, %add3A_131 : i32
      %swap3A_133 = arith.index_cast %add3A_132 : i32 to index
      %swap3A_134 = tpu.vector_load %arg7[%swap3A_133] {strides = array<i32>} : memref<50176xf32, #tpu.memory_space<vmem>>, vector<16xf32>,
      tpu.vector_store %arg7[%swap3A_133], %broadcast_in_dim3A_1 {strides = array<i32>} : memref<50176xf32, #tpu.memory_space<vmem>>, vector<16xf32>,
      %add3A_135 = arith.constant 80 : i32
      %add3A_136 = arith.addi %mul3A_115, %add3A_135 : i32
      %swap3A_137 = arith.index_cast %add3A_136 : i32 to index
      %swap3A_138 = tpu.vector_load %arg7[%swap3A_137] {strides = array<i32>} : memref<50176xf32, #tpu.memory_space<vmem>>, vector<16xf32>,
      tpu.vector_store %arg7[%swap3A_137], %broadcast_in_dim3A_1 {strides = array<i32>} : memref<50176xf32, #tpu.memory_space<vmem>>, vector<16xf32>,
      %add3A_139 = arith.constant 96 : i32
      %add3A_140 = arith.addi %mul3A_115, %add3A_139 : i32
      %swap3A_141 = arith.index_cast %add3A_140 : i32 to index
      %swap3A_142 = tpu.vector_load %arg7[%swap3A_141] {strides = array<i32>} : memref<50176xf32, #tpu.memory_space<vmem>>, vector<16xf32>,
      tpu.vector_store %arg7[%swap3A_141], %broadcast_in_dim3A_1 {strides = array<i32>} : memref<50176xf32, #tpu.memory_space<vmem>>, vector<16xf32>,
      %add3A_143 = arith.constant 112 : i32
      %add3A_144 = arith.addi %mul3A_115, %add3A_143 : i32
      %swap3A_145 = arith.index_cast %add3A_144 : i32 to index
      %swap3A_146 = tpu.vector_load %arg7[%swap3A_145] {strides = array<i32>} : memref<50176xf32, #tpu.memory_space<vmem>>, vector<16xf32>,
      tpu.vector_store %arg7[%swap3A_145], %broadcast_in_dim3A_1 {strides = array<i32>} : memref<50176xf32, #tpu.memory_space<vmem>>, vector<16xf32>,
    }
    %scan3A_6 = arith.constant 392 : i32
    %broadcast_in_dim3A_7 = arith.constant 1.000000e+00 : f32
    %broadcast_in_dim3A_8 = vector.broadcast %broadcast_in_dim3A_7 : f32 to vector<16xf32>
    %scan3A_9 = arith.constant 0 : i32
    %scan3A_10 = arith.constant 0 : i32
    %scan3A_11 = arith.constant 220 : i32
    %scan3A_12 = arith.addi %scan3A_10, %scan3A_11 : i32
    %scan3A_13 = arith.constant 1 : i32
    scf.for %scan3A_113 = %scan3A_10 to %scan3A_12 step %scan3A_13  : i32 {
      %mul3A_114 = arith.constant 128 : i32
      %mul3A_115 = arith.muli %scan3A_113, %mul3A_114 : i32
      %add3A_116 = arith.constant 0 : i32
      %add3A_117 = arith.addi %mul3A_115, %add3A_116 : i32
      %get3A_118 = arith.index_cast %add3A_117 : i32 to index
      %get3A_119 = tpu.vector_load %arg6[%get3A_118] {strides = array<i32>} : memref<28256xi32, #tpu.memory_space<vmem>>, vector<16xi32>,
      %get3A_120 = arith.index_cast %add3A_117 : i32 to index
      %get3A_121 = tpu.vector_load %arg5[%get3A_120] {strides = array<i32>} : memref<28256xi32, #tpu.memory_space<vmem>>, vector<16xi32>,
      %sub3A_122 = vector.broadcast %mul3A_0 : i32 to vector<16xi32>
      %sub3A_123 = arith.subi %get3A_119, %sub3A_122 : vector<16xi32>
      %ge3A_124 = arith.constant 0 : i32
      %ge3A_125 = vector.broadcast %ge3A_124 : i32 to vector<16xi32>
      %ge3A_126 = arith.cmpi sge, %sub3A_123, %ge3A_125 : vector<16xi32>
      %lt3A_127 = arith.constant 56 : i32
      %lt3A_128 = vector.broadcast %lt3A_127 : i32 to vector<16xi32>
      %lt3A_129 = arith.cmpi slt, %sub3A_123, %lt3A_128 : vector<16xi32>
      %and3A_130 = arith.andi %ge3A_126, %lt3A_129 : vector<16xi1>
      %mul3A_131 = arith.constant 896 : i32
      %mul3A_132 = vector.broadcast %mul3A_131 : i32 to vector<16xi32>
      %mul3A_133 = arith.muli %sub3A_123, %mul3A_132 : vector<16xi32>
      %add3A_134 = arith.addi %mul3A_133, %get3A_121 : vector<16xi32>
      tpu.vector_store_idx %arg7[%add3A_134], %broadcast_in_dim3A_8 masked %and3A_130 {add = true} : memref<50176xf32, #tpu.memory_space<vmem>>[vector<16xi32>], vector<16xf32>, vector<16xi1>
      %add3A_135 = arith.constant 16 : i32
      %add3A_136 = arith.addi %mul3A_115, %add3A_135 : i32
      %get3A_137 = arith.index_cast %add3A_136 : i32 to index
      %get3A_138 = tpu.vector_load %arg6[%get3A_137] {strides = array<i32>} : memref<28256xi32, #tpu.memory_space<vmem>>, vector<16xi32>,
      %get3A_139 = arith.index_cast %add3A_136 : i32 to index
      %get3A_140 = tpu.vector_load %arg5[%get3A_139] {strides = array<i32>} : memref<28256xi32, #tpu.memory_space<vmem>>, vector<16xi32>,
      %sub3A_141 = vector.broadcast %mul3A_0 : i32 to vector<16xi32>
      %sub3A_142 = arith.subi %get3A_138, %sub3A_141 : vector<16xi32>
      %ge3A_143 = arith.constant 0 : i32
      %ge3A_144 = vector.broadcast %ge3A_143 : i32 to vector<16xi32>
      %ge3A_145 = arith.cmpi sge, %sub3A_142, %ge3A_144 : vector<16xi32>
      %lt3A_146 = arith.constant 56 : i32
      %lt3A_147 = vector.broadcast %lt3A_146 : i32 to vector<16xi32>
      %lt3A_148 = arith.cmpi slt, %sub3A_142, %lt3A_147 : vector<16xi32>
      %and3A_149 = arith.andi %ge3A_145, %lt3A_148 : vector<16xi1>
      %mul3A_150 = arith.constant 896 : i32
      %mul3A_151 = vector.broadcast %mul3A_150 : i32 to vector<16xi32>
      %mul3A_152 = arith.muli %sub3A_142, %mul3A_151 : vector<16xi32>
      %add3A_153 = arith.addi %mul3A_152, %get3A_140 : vector<16xi32>
      tpu.vector_store_idx %arg7[%add3A_153], %broadcast_in_dim3A_8 masked %and3A_149 {add = true} : memref<50176xf32, #tpu.memory_space<vmem>>[vector<16xi32>], vector<16xf32>, vector<16xi1>
      %add3A_154 = arith.constant 32 : i32
      %add3A_155 = arith.addi %mul3A_115, %add3A_154 : i32
      %get3A_156 = arith.index_cast %add3A_155 : i32 to index
      %get3A_157 = tpu.vector_load %arg6[%get3A_156] {strides = array<i32>} : memref<28256xi32, #tpu.memory_space<vmem>>, vector<16xi32>,
      %get3A_158 = arith.index_cast %add3A_155 : i32 to index
      %get3A_159 = tpu.vector_load %arg5[%get3A_158] {strides = array<i32>} : memref<28256xi32, #tpu.memory_space<vmem>>, vector<16xi32>,
      %sub3A_160 = vector.broadcast %mul3A_0 : i32 to vector<16xi32>
      %sub3A_161 = arith.subi %get3A_157, %sub3A_160 : vector<16xi32>
      %ge3A_162 = arith.constant 0 : i32
      %ge3A_163 = vector.broadcast %ge3A_162 : i32 to vector<16xi32>
      %ge3A_164 = arith.cmpi sge, %sub3A_161, %ge3A_163 : vector<16xi32>
      %lt3A_165 = arith.constant 56 : i32
      %lt3A_166 = vector.broadcast %lt3A_165 : i32 to vector<16xi32>
      %lt3A_167 = arith.cmpi slt, %sub3A_161, %lt3A_166 : vector<16xi32>
      %and3A_168 = arith.andi %ge3A_164, %lt3A_167 : vector<16xi1>
      %mul3A_169 = arith.constant 896 : i32
      %mul3A_170 = vector.broadcast %mul3A_169 : i32 to vector<16xi32>
      %mul3A_171 = arith.muli %sub3A_161, %mul3A_170 : vector<16xi32>
      %add3A_172 = arith.addi %mul3A_171, %get3A_159 : vector<16xi32>
      tpu.vector_store_idx %arg7[%add3A_172], %broadcast_in_dim3A_8 masked %and3A_168 {add = true} : memref<50176xf32, #tpu.memory_space<vmem>>[vector<16xi32>], vector<16xf32>, vector<16xi1>
      %add3A_173 = arith.constant 48 : i32
      %add3A_174 = arith.addi %mul3A_115, %add3A_173 : i32
      %get3A_175 = arith.index_cast %add3A_174 : i32 to index
      %get3A_176 = tpu.vector_load %arg6[%get3A_175] {strides = array<i32>} : memref<28256xi32, #tpu.memory_space<vmem>>, vector<16xi32>,
      %get3A_177 = arith.index_cast %add3A_174 : i32 to index
      %get3A_178 = tpu.vector_load %arg5[%get3A_177] {strides = array<i32>} : memref<28256xi32, #tpu.memory_space<vmem>>, vector<16xi32>,
      %sub3A_179 = vector.broadcast %mul3A_0 : i32 to vector<16xi32>
      %sub3A_180 = arith.subi %get3A_176, %sub3A_179 : vector<16xi32>
      %ge3A_181 = arith.constant 0 : i32
      %ge3A_182 = vector.broadcast %ge3A_181 : i32 to vector<16xi32>
      %ge3A_183 = arith.cmpi sge, %sub3A_180, %ge3A_182 : vector<16xi32>
      %lt3A_184 = arith.constant 56 : i32
      %lt3A_185 = vector.broadcast %lt3A_184 : i32 to vector<16xi32>
      %lt3A_186 = arith.cmpi slt, %sub3A_180, %lt3A_185 : vector<16xi32>
      %and3A_187 = arith.andi %ge3A_183, %lt3A_186 : vector<16xi1>
      %mul3A_188 = arith.constant 896 : i32
      %mul3A_189 = vector.broadcast %mul3A_188 : i32 to vector<16xi32>
      %mul3A_190 = arith.muli %sub3A_180, %mul3A_189 : vector<16xi32>
      %add3A_191 = arith.addi %mul3A_190, %get3A_178 : vector<16xi32>
      tpu.vector_store_idx %arg7[%add3A_191], %broadcast_in_dim3A_8 masked %and3A_187 {add = true} : memref<50176xf32, #tpu.memory_space<vmem>>[vector<16xi32>], vector<16xf32>, vector<16xi1>
      %add3A_192 = arith.constant 64 : i32
      %add3A_193 = arith.addi %mul3A_115, %add3A_192 : i32
      %get3A_194 = arith.index_cast %add3A_193 : i32 to index
      %get3A_195 = tpu.vector_load %arg6[%get3A_194] {strides = array<i32>} : memref<28256xi32, #tpu.memory_space<vmem>>, vector<16xi32>,
      %get3A_196 = arith.index_cast %add3A_193 : i32 to index
      %get3A_197 = tpu.vector_load %arg5[%get3A_196] {strides = array<i32>} : memref<28256xi32, #tpu.memory_space<vmem>>, vector<16xi32>,
      %sub3A_198 = vector.broadcast %mul3A_0 : i32 to vector<16xi32>
      %sub3A_199 = arith.subi %get3A_195, %sub3A_198 : vector<16xi32>
      %ge3A_200 = arith.constant 0 : i32
      %ge3A_201 = vector.broadcast %ge3A_200 : i32 to vector<16xi32>
      %ge3A_202 = arith.cmpi sge, %sub3A_199, %ge3A_201 : vector<16xi32>
      %lt3A_203 = arith.constant 56 : i32
      %lt3A_204 = vector.broadcast %lt3A_203 : i32 to vector<16xi32>
      %lt3A_205 = arith.cmpi slt, %sub3A_199, %lt3A_204 : vector<16xi32>
      %and3A_206 = arith.andi %ge3A_202, %lt3A_205 : vector<16xi1>
      %mul3A_207 = arith.constant 896 : i32
      %mul3A_208 = vector.broadcast %mul3A_207 : i32 to vector<16xi32>
      %mul3A_209 = arith.muli %sub3A_199, %mul3A_208 : vector<16xi32>
      %add3A_210 = arith.addi %mul3A_209, %get3A_197 : vector<16xi32>
      tpu.vector_store_idx %arg7[%add3A_210], %broadcast_in_dim3A_8 masked %and3A_206 {add = true} : memref<50176xf32, #tpu.memory_space<vmem>>[vector<16xi32>], vector<16xf32>, vector<16xi1>
      %add3A_211 = arith.constant 80 : i32
      %add3A_212 = arith.addi %mul3A_115, %add3A_211 : i32
      %get3A_213 = arith.index_cast %add3A_212 : i32 to index
      %get3A_214 = tpu.vector_load %arg6[%get3A_213] {strides = array<i32>} : memref<28256xi32, #tpu.memory_space<vmem>>, vector<16xi32>,
      %get3A_215 = arith.index_cast %add3A_212 : i32 to index
      %get3A_216 = tpu.vector_load %arg5[%get3A_215] {strides = array<i32>} : memref<28256xi32, #tpu.memory_space<vmem>>, vector<16xi32>,
      %sub3A_217 = vector.broadcast %mul3A_0 : i32 to vector<16xi32>
      %sub3A_218 = arith.subi %get3A_214, %sub3A_217 : vector<16xi32>
      %ge3A_219 = arith.constant 0 : i32
      %ge3A_220 = vector.broadcast %ge3A_219 : i32 to vector<16xi32>
      %ge3A_221 = arith.cmpi sge, %sub3A_218, %ge3A_220 : vector<16xi32>
      %lt3A_222 = arith.constant 56 : i32
      %lt3A_223 = vector.broadcast %lt3A_222 : i32 to vector<16xi32>
      %lt3A_224 = arith.cmpi slt, %sub3A_218, %lt3A_223 : vector<16xi32>
      %and3A_225 = arith.andi %ge3A_221, %lt3A_224 : vector<16xi1>
      %mul3A_226 = arith.constant 896 : i32
      %mul3A_227 = vector.broadcast %mul3A_226 : i32 to vector<16xi32>
      %mul3A_228 = arith.muli %sub3A_218, %mul3A_227 : vector<16xi32>
      %add3A_229 = arith.addi %mul3A_228, %get3A_216 : vector<16xi32>
      tpu.vector_store_idx %arg7[%add3A_229], %broadcast_in_dim3A_8 masked %and3A_225 {add = true} : memref<50176xf32, #tpu.memory_space<vmem>>[vector<16xi32>], vector<16xf32>, vector<16xi1>
      %add3A_230 = arith.constant 96 : i32
      %add3A_231 = arith.addi %mul3A_115, %add3A_230 : i32
      %get3A_232 = arith.index_cast %add3A_231 : i32 to index
      %get3A_233 = tpu.vector_load %arg6[%get3A_232] {strides = array<i32>} : memref<28256xi32, #tpu.memory_space<vmem>>, vector<16xi32>,
      %get3A_234 = arith.index_cast %add3A_231 : i32 to index
      %get3A_235 = tpu.vector_load %arg5[%get3A_234] {strides = array<i32>} : memref<28256xi32, #tpu.memory_space<vmem>>, vector<16xi32>,
      %sub3A_236 = vector.broadcast %mul3A_0 : i32 to vector<16xi32>
      %sub3A_237 = arith.subi %get3A_233, %sub3A_236 : vector<16xi32>
      %ge3A_238 = arith.constant 0 : i32
      %ge3A_239 = vector.broadcast %ge3A_238 : i32 to vector<16xi32>
      %ge3A_240 = arith.cmpi sge, %sub3A_237, %ge3A_239 : vector<16xi32>
      %lt3A_241 = arith.constant 56 : i32
      %lt3A_242 = vector.broadcast %lt3A_241 : i32 to vector<16xi32>
      %lt3A_243 = arith.cmpi slt, %sub3A_237, %lt3A_242 : vector<16xi32>
      %and3A_244 = arith.andi %ge3A_240, %lt3A_243 : vector<16xi1>
      %mul3A_245 = arith.constant 896 : i32
      %mul3A_246 = vector.broadcast %mul3A_245 : i32 to vector<16xi32>
      %mul3A_247 = arith.muli %sub3A_237, %mul3A_246 : vector<16xi32>
      %add3A_248 = arith.addi %mul3A_247, %get3A_235 : vector<16xi32>
      tpu.vector_store_idx %arg7[%add3A_248], %broadcast_in_dim3A_8 masked %and3A_244 {add = true} : memref<50176xf32, #tpu.memory_space<vmem>>[vector<16xi32>], vector<16xf32>, vector<16xi1>
      %add3A_249 = arith.constant 112 : i32
      %add3A_250 = arith.addi %mul3A_115, %add3A_249 : i32
      %get3A_251 = arith.index_cast %add3A_250 : i32 to index
      %get3A_252 = tpu.vector_load %arg6[%get3A_251] {strides = array<i32>} : memref<28256xi32, #tpu.memory_space<vmem>>, vector<16xi32>,
      %get3A_253 = arith.index_cast %add3A_250 : i32 to index
      %get3A_254 = tpu.vector_load %arg5[%get3A_253] {strides = array<i32>} : memref<28256xi32, #tpu.memory_space<vmem>>, vector<16xi32>,
      %sub3A_255 = vector.broadcast %mul3A_0 : i32 to vector<16xi32>
      %sub3A_256 = arith.subi %get3A_252, %sub3A_255 : vector<16xi32>
      %ge3A_257 = arith.constant 0 : i32
      %ge3A_258 = vector.broadcast %ge3A_257 : i32 to vector<16xi32>
      %ge3A_259 = arith.cmpi sge, %sub3A_256, %ge3A_258 : vector<16xi32>
      %lt3A_260 = arith.constant 56 : i32
      %lt3A_261 = vector.broadcast %lt3A_260 : i32 to vector<16xi32>
      %lt3A_262 = arith.cmpi slt, %sub3A_256, %lt3A_261 : vector<16xi32>
      %and3A_263 = arith.andi %ge3A_259, %lt3A_262 : vector<16xi1>
      %mul3A_264 = arith.constant 896 : i32
      %mul3A_265 = vector.broadcast %mul3A_264 : i32 to vector<16xi32>
      %mul3A_266 = arith.muli %sub3A_256, %mul3A_265 : vector<16xi32>
      %add3A_267 = arith.addi %mul3A_266, %get3A_254 : vector<16xi32>
      tpu.vector_store_idx %arg7[%add3A_267], %broadcast_in_dim3A_8 masked %and3A_263 {add = true} : memref<50176xf32, #tpu.memory_space<vmem>>[vector<16xi32>], vector<16xf32>, vector<16xi1>
    }
    %scan3A_14 = arith.constant 220 : i32
    %get3A = arith.constant 28160 : index
    %get3A_15 = tpu.vector_load %arg6[%get3A] {strides = array<i32>} : memref<28256xi32, #tpu.memory_space<vmem>>, vector<16xi32>,
    %get3A_16 = arith.constant 28160 : index
    %get3A_17 = tpu.vector_load %arg5[%get3A_16] {strides = array<i32>} : memref<28256xi32, #tpu.memory_space<vmem>>, vector<16xi32>,
    %sub3A = vector.broadcast %mul3A_0 : i32 to vector<16xi32>
    %sub3A_18 = arith.subi %get3A_15, %sub3A : vector<16xi32>
    %ge3A = arith.constant 0 : i32
    %ge3A_19 = vector.broadcast %ge3A : i32 to vector<16xi32>
    %ge3A_20 = arith.cmpi sge, %sub3A_18, %ge3A_19 : vector<16xi32>
    %lt3A = arith.constant 56 : i32
    %lt3A_21 = vector.broadcast %lt3A : i32 to vector<16xi32>
    %lt3A_22 = arith.cmpi slt, %sub3A_18, %lt3A_21 : vector<16xi32>
    %and3A = arith.andi %ge3A_20, %lt3A_22 : vector<16xi1>
    %mul3A_23 = arith.constant 896 : i32
    %mul3A_24 = vector.broadcast %mul3A_23 : i32 to vector<16xi32>
    %mul3A_25 = arith.muli %sub3A_18, %mul3A_24 : vector<16xi32>
    %add3A = arith.addi %mul3A_25, %get3A_17 : vector<16xi32>
    tpu.vector_store_idx %arg7[%add3A], %broadcast_in_dim3A_8 masked %and3A {add = true} : memref<50176xf32, #tpu.memory_space<vmem>>[vector<16xi32>], vector<16xf32>, vector<16xi1>
    %get3A_26 = arith.constant 28176 : index
    %get3A_27 = tpu.vector_load %arg6[%get3A_26] {strides = array<i32>} : memref<28256xi32, #tpu.memory_space<vmem>>, vector<16xi32>,
    %get3A_28 = arith.constant 28176 : index
    %get3A_29 = tpu.vector_load %arg5[%get3A_28] {strides = array<i32>} : memref<28256xi32, #tpu.memory_space<vmem>>, vector<16xi32>,
    %sub3A_30 = vector.broadcast %mul3A_0 : i32 to vector<16xi32>
    %sub3A_31 = arith.subi %get3A_27, %sub3A_30 : vector<16xi32>
    %ge3A_32 = arith.constant 0 : i32
    %ge3A_33 = vector.broadcast %ge3A_32 : i32 to vector<16xi32>
    %ge3A_34 = arith.cmpi sge, %sub3A_31, %ge3A_33 : vector<16xi32>
    %lt3A_35 = arith.constant 56 : i32
    %lt3A_36 = vector.broadcast %lt3A_35 : i32 to vector<16xi32>
    %lt3A_37 = arith.cmpi slt, %sub3A_31, %lt3A_36 : vector<16xi32>
    %and3A_38 = arith.andi %ge3A_34, %lt3A_37 : vector<16xi1>
    %mul3A_39 = arith.constant 896 : i32
    %mul3A_40 = vector.broadcast %mul3A_39 : i32 to vector<16xi32>
    %mul3A_41 = arith.muli %sub3A_31, %mul3A_40 : vector<16xi32>
    %add3A_42 = arith.addi %mul3A_41, %get3A_29 : vector<16xi32>
    tpu.vector_store_idx %arg7[%add3A_42], %broadcast_in_dim3A_8 masked %and3A_38 {add = true} : memref<50176xf32, #tpu.memory_space<vmem>>[vector<16xi32>], vector<16xf32>, vector<16xi1>
    %get3A_43 = arith.constant 28192 : index
    %get3A_44 = tpu.vector_load %arg6[%get3A_43] {strides = array<i32>} : memref<28256xi32, #tpu.memory_space<vmem>>, vector<16xi32>,
    %get3A_45 = arith.constant 28192 : index
    %get3A_46 = tpu.vector_load %arg5[%get3A_45] {strides = array<i32>} : memref<28256xi32, #tpu.memory_space<vmem>>, vector<16xi32>,
    %sub3A_47 = vector.broadcast %mul3A_0 : i32 to vector<16xi32>
    %sub3A_48 = arith.subi %get3A_44, %sub3A_47 : vector<16xi32>
    %ge3A_49 = arith.constant 0 : i32
    %ge3A_50 = vector.broadcast %ge3A_49 : i32 to vector<16xi32>
    %ge3A_51 = arith.cmpi sge, %sub3A_48, %ge3A_50 : vector<16xi32>
    %lt3A_52 = arith.constant 56 : i32
    %lt3A_53 = vector.broadcast %lt3A_52 : i32 to vector<16xi32>
    %lt3A_54 = arith.cmpi slt, %sub3A_48, %lt3A_53 : vector<16xi32>
    %and3A_55 = arith.andi %ge3A_51, %lt3A_54 : vector<16xi1>
    %mul3A_56 = arith.constant 896 : i32
    %mul3A_57 = vector.broadcast %mul3A_56 : i32 to vector<16xi32>
    %mul3A_58 = arith.muli %sub3A_48, %mul3A_57 : vector<16xi32>
    %add3A_59 = arith.addi %mul3A_58, %get3A_46 : vector<16xi32>
    tpu.vector_store_idx %arg7[%add3A_59], %broadcast_in_dim3A_8 masked %and3A_55 {add = true} : memref<50176xf32, #tpu.memory_space<vmem>>[vector<16xi32>], vector<16xf32>, vector<16xi1>
    %get3A_60 = arith.constant 28208 : index
    %get3A_61 = tpu.vector_load %arg6[%get3A_60] {strides = array<i32>} : memref<28256xi32, #tpu.memory_space<vmem>>, vector<16xi32>,
    %get3A_62 = arith.constant 28208 : index
    %get3A_63 = tpu.vector_load %arg5[%get3A_62] {strides = array<i32>} : memref<28256xi32, #tpu.memory_space<vmem>>, vector<16xi32>,
    %sub3A_64 = vector.broadcast %mul3A_0 : i32 to vector<16xi32>
    %sub3A_65 = arith.subi %get3A_61, %sub3A_64 : vector<16xi32>
    %ge3A_66 = arith.constant 0 : i32
    %ge3A_67 = vector.broadcast %ge3A_66 : i32 to vector<16xi32>
    %ge3A_68 = arith.cmpi sge, %sub3A_65, %ge3A_67 : vector<16xi32>
    %lt3A_69 = arith.constant 56 : i32
    %lt3A_70 = vector.broadcast %lt3A_69 : i32 to vector<16xi32>
    %lt3A_71 = arith.cmpi slt, %sub3A_65, %lt3A_70 : vector<16xi32>
    %and3A_72 = arith.andi %ge3A_68, %lt3A_71 : vector<16xi1>
    %mul3A_73 = arith.constant 896 : i32
    %mul3A_74 = vector.broadcast %mul3A_73 : i32 to vector<16xi32>
    %mul3A_75 = arith.muli %sub3A_65, %mul3A_74 : vector<16xi32>
    %add3A_76 = arith.addi %mul3A_75, %get3A_63 : vector<16xi32>
    tpu.vector_store_idx %arg7[%add3A_76], %broadcast_in_dim3A_8 masked %and3A_72 {add = true} : memref<50176xf32, #tpu.memory_space<vmem>>[vector<16xi32>], vector<16xf32>, vector<16xi1>
    %get3A_77 = arith.constant 28224 : index
    %get3A_78 = tpu.vector_load %arg6[%get3A_77] {strides = array<i32>} : memref<28256xi32, #tpu.memory_space<vmem>>, vector<16xi32>,
    %get3A_79 = arith.constant 28224 : index
    %get3A_80 = tpu.vector_load %arg5[%get3A_79] {strides = array<i32>} : memref<28256xi32, #tpu.memory_space<vmem>>, vector<16xi32>,
    %sub3A_81 = vector.broadcast %mul3A_0 : i32 to vector<16xi32>
    %sub3A_82 = arith.subi %get3A_78, %sub3A_81 : vector<16xi32>
    %ge3A_83 = arith.constant 0 : i32
    %ge3A_84 = vector.broadcast %ge3A_83 : i32 to vector<16xi32>
    %ge3A_85 = arith.cmpi sge, %sub3A_82, %ge3A_84 : vector<16xi32>
    %lt3A_86 = arith.constant 56 : i32
    %lt3A_87 = vector.broadcast %lt3A_86 : i32 to vector<16xi32>
    %lt3A_88 = arith.cmpi slt, %sub3A_82, %lt3A_87 : vector<16xi32>
    %and3A_89 = arith.andi %ge3A_85, %lt3A_88 : vector<16xi1>
    %mul3A_90 = arith.constant 896 : i32
    %mul3A_91 = vector.broadcast %mul3A_90 : i32 to vector<16xi32>
    %mul3A_92 = arith.muli %sub3A_82, %mul3A_91 : vector<16xi32>
    %add3A_93 = arith.addi %mul3A_92, %get3A_80 : vector<16xi32>
    tpu.vector_store_idx %arg7[%add3A_93], %broadcast_in_dim3A_8 masked %and3A_89 {add = true} : memref<50176xf32, #tpu.memory_space<vmem>>[vector<16xi32>], vector<16xf32>, vector<16xi1>
    %get3A_94 = arith.constant 28240 : index
    %get3A_95 = tpu.vector_load %arg6[%get3A_94] {strides = array<i32>} : memref<28256xi32, #tpu.memory_space<vmem>>, vector<16xi32>,
    %get3A_96 = arith.constant 28240 : index
    %get3A_97 = tpu.vector_load %arg5[%get3A_96] {strides = array<i32>} : memref<28256xi32, #tpu.memory_space<vmem>>, vector<16xi32>,
    %sub3A_98 = vector.broadcast %mul3A_0 : i32 to vector<16xi32>
    %sub3A_99 = arith.subi %get3A_95, %sub3A_98 : vector<16xi32>
    %ge3A_100 = arith.constant 0 : i32
    %ge3A_101 = vector.broadcast %ge3A_100 : i32 to vector<16xi32>
    %ge3A_102 = arith.cmpi sge, %sub3A_99, %ge3A_101 : vector<16xi32>
    %lt3A_103 = arith.constant 56 : i32
    %lt3A_104 = vector.broadcast %lt3A_103 : i32 to vector<16xi32>
    %lt3A_105 = arith.cmpi slt, %sub3A_99, %lt3A_104 : vector<16xi32>
    %and3A_106 = arith.andi %ge3A_102, %lt3A_105 : vector<16xi1>
    %mul3A_107 = arith.constant 896 : i32
    %mul3A_108 = vector.broadcast %mul3A_107 : i32 to vector<16xi32>
    %mul3A_109 = arith.muli %sub3A_99, %mul3A_108 : vector<16xi32>
    %add3A_110 = arith.addi %mul3A_109, %get3A_97 : vector<16xi32>
    tpu.vector_store_idx %arg7[%add3A_110], %broadcast_in_dim3A_8 masked %and3A_106 {add = true} : memref<50176xf32, #tpu.memory_space<vmem>>[vector<16xi32>], vector<16xf32>, vector<16xi1>
    %mul3A_111 = arith.constant 896 : i32
    %mul3A_112 = arith.muli %mul3A_0, %mul3A_111 : i32
    "tpu.region"() ({
      %run_scoped3A = tpu.sem_alloc : memref<!tpu.dma_semaphore, #tpu.memory_space<semaphore_mem>>
      %dma_start3A = tpu.memref_slice %arg4[%mul3A_112] : memref<802816xf32, #tpu.memory_space<hbm>> -> memref<50176xf32, #tpu.memory_space<hbm>>
      %dma_start3A_113 = tpu.memref_slice %arg4[%mul3A_112] : memref<802816xf32, #tpu.memory_space<hbm>> -> memref<50176xf32, #tpu.memory_space<hbm>>
      tpu.enqueue_dma source(%arg7 : memref<50176xf32, #tpu.memory_space<vmem>>) target(%dma_start3A_113 : memref<50176xf32, #tpu.memory_space<hbm>>) target_semaphore(%run_scoped3A : memref<!tpu.dma_semaphore, #tpu.memory_space<semaphore_mem>>)
      %dma_wait3A = tpu.memref_slice %arg4[%mul3A_112] : memref<802816xf32, #tpu.memory_space<hbm>> -> memref<50176xf32, #tpu.memory_space<hbm>>
      %dma_wait3A_114 = tpu.memref_slice %arg4[%mul3A_112] : memref<802816xf32, #tpu.memory_space<hbm>> -> memref<50176xf32, #tpu.memory_space<hbm>>
      tpu.wait_dma2 semaphore(%run_scoped3A : memref<!tpu.dma_semaphore, #tpu.memory_space<semaphore_mem>>) src(%arg7 : memref<50176xf32, #tpu.memory_space<vmem>>) dst(%dma_wait3A_114 : memref<50176xf32, #tpu.memory_space<hbm>>)
      tpu.yield
    }) : () -> ()
    return
  }
}

module attributes {stable_mosaic.version = 14 : i64} {
  func.func @_tc_body(%arg0: i32, %arg1: memref<896x896xf32, #tpu.memory_space<vmem>>, %arg2: memref<1x883x1280xf32, #tpu.memory_space<vmem>>, %arg3: memref<1x883x1280xf32, #tpu.memory_space<vmem>>, %arg4: memref<896x20xf32, #tpu.memory_space<vmem>>, %arg5: memref<1x1x896xf32, #tpu.memory_space<vmem>>, %arg6: memref<20x128xf32, #tpu.memory_space<vmem>>, %arg7: memref<128x128xf32, #tpu.memory_space<vmem>>, %arg8: memref<2816x256xf32, #tpu.memory_space<vmem>>, %arg9: memref<1x256xf32, #tpu.memory_space<vmem>>, %arg10: memref<512x256xf32, #tpu.memory_space<vmem>>, %arg11: memref<1x256xf32, #tpu.memory_space<vmem>>, %arg12: memref<512x256xf32, #tpu.memory_space<vmem>>, %arg13: memref<1x256xf32, #tpu.memory_space<vmem>>, %arg14: memref<8x256x128xf32, #tpu.memory_space<vmem>>, %arg15: memref<8x128xf32, #tpu.memory_space<vmem>>, %arg16: memref<8x128xf32, #tpu.memory_space<vmem>>, %arg17: memref<8x1xf32, #tpu.memory_space<vmem>>, %arg18: memref<8x128xf32, #tpu.memory_space<vmem>>, %arg19: memref<8x1xf32, #tpu.memory_space<vmem>>, %arg20: memref<8x128xf32, #tpu.memory_space<vmem>>, %arg21: memref<8x1xf32, #tpu.memory_space<vmem>>, %arg22: memref<256x8xf32, #tpu.memory_space<vmem>>, %arg23: memref<1x8xf32, #tpu.memory_space<vmem>>, %arg24: memref<1x1x256xf32, #tpu.memory_space<vmem>>, %arg25: memref<1x8x1xf32, #tpu.memory_space<vmem>>, %arg26: memref<1x1x8xf32, #tpu.memory_space<vmem>>, %arg27: memref<1x8x1xf32, #tpu.memory_space<vmem>>, %arg28: memref<1x8x1xf32, #tpu.memory_space<vmem>>, %arg29: memref<1x1x1xi32, #tpu.memory_space<vmem>>, %arg30: memref<896x896xf32, #tpu.memory_space<vmem>>, %arg31: memref<896x256xf32, #tpu.memory_space<vmem>>) attributes {dimension_semantics = [#tpu.dimension_semantics<arbitrary>], iteration_bounds = array<i64: 4>, scalar_prefetch = 0 : i64, scratch_operands = 2 : i64, tpu.core_type = #tpu.core_type<tc>, window_params = [{pipeline_mode = #tpu.pipeline_mode<synchronous>, transform_indices = @transform_0, window_bounds = array<i64: 896, 896>}, {transform_indices = @transform_1, window_bounds = array<i64: 1, 883, 1280>}, {transform_indices = @transform_2, window_bounds = array<i64: 1, 883, 1280>}, {pipeline_mode = #tpu.pipeline_mode<synchronous>, transform_indices = @transform_3, window_bounds = array<i64: 896, 20>}, {transform_indices = @transform_4, window_bounds = array<i64: 1, 1, 896>}, {pipeline_mode = #tpu.pipeline_mode<synchronous>, transform_indices = @transform_5, window_bounds = array<i64: 20, 128>}, {pipeline_mode = #tpu.pipeline_mode<synchronous>, transform_indices = @transform_6, window_bounds = array<i64: 128, 128>}, {pipeline_mode = #tpu.pipeline_mode<synchronous>, transform_indices = @transform_7, window_bounds = array<i64: 2816, 256>}, {pipeline_mode = #tpu.pipeline_mode<synchronous>, transform_indices = @transform_8, window_bounds = array<i64: 1, 256>}, {pipeline_mode = #tpu.pipeline_mode<synchronous>, transform_indices = @transform_9, window_bounds = array<i64: 512, 256>}, {pipeline_mode = #tpu.pipeline_mode<synchronous>, transform_indices = @transform_10, window_bounds = array<i64: 1, 256>}, {pipeline_mode = #tpu.pipeline_mode<synchronous>, transform_indices = @transform_11, window_bounds = array<i64: 512, 256>}, {pipeline_mode = #tpu.pipeline_mode<synchronous>, transform_indices = @transform_12, window_bounds = array<i64: 1, 256>}, {pipeline_mode = #tpu.pipeline_mode<synchronous>, transform_indices = @transform_13, window_bounds = array<i64: 8, 256, 128>}, {pipeline_mode = #tpu.pipeline_mode<synchronous>, transform_indices = @transform_14, window_bounds = array<i64: 8, 128>}, {pipeline_mode = #tpu.pipeline_mode<synchronous>, transform_indices = @transform_15, window_bounds = array<i64: 8, 128>}, {pipeline_mode = #tpu.pipeline_mode<synchronous>, transform_indices = @transform_16, window_bounds = array<i64: 8, 1>}, {pipeline_mode = #tpu.pipeline_mode<synchronous>, transform_indices = @transform_17, window_bounds = array<i64: 8, 128>}, {pipeline_mode = #tpu.pipeline_mode<synchronous>, transform_indices = @transform_18, window_bounds = array<i64: 8, 1>}, {pipeline_mode = #tpu.pipeline_mode<synchronous>, transform_indices = @transform_19, window_bounds = array<i64: 8, 128>}, {pipeline_mode = #tpu.pipeline_mode<synchronous>, transform_indices = @transform_20, window_bounds = array<i64: 8, 1>}, {pipeline_mode = #tpu.pipeline_mode<synchronous>, transform_indices = @transform_21, window_bounds = array<i64: 256, 8>}, {pipeline_mode = #tpu.pipeline_mode<synchronous>, transform_indices = @transform_22, window_bounds = array<i64: 1, 8>}, {transform_indices = @transform_23, window_bounds = array<i64: 1, 1, 256>}, {transform_indices = @transform_24, window_bounds = array<i64: 1, 8, 1>}, {transform_indices = @transform_25, window_bounds = array<i64: 1, 1, 8>}, {transform_indices = @transform_26, window_bounds = array<i64: 1, 8, 1>}, {transform_indices = @transform_27, window_bounds = array<i64: 1, 8, 1>}, {transform_indices = @transform_28, window_bounds = array<i64: 1, 1, 1>}]} {
    %eq3A = arith.constant 0 : i32
    %eq3A_0 = arith.cmpi eq, %arg0, %eq3A : i32
    %convert_element_type3A = arith.extui %eq3A_0 : i1 to i32
    %cond3A = arith.constant 0 : i32
    %cond3A_1 = arith.cmpi ne, %convert_element_type3A, %cond3A : i32
    scf.if %cond3A_1 {
      %get3A_360 = arith.constant 0 : index
      %get3A_361 = arith.constant 0 : index
      %get3A_362 = vector.load %arg1[%get3A_360, %get3A_361] : memref<896x896xf32, #tpu.memory_space<vmem>>, vector<896x896xf32>
      %reduce_sum3A_363 = arith.constant dense<0.000000e+00> : vector<896xf32>
      %reduce_sum3A_364 = vector.multi_reduction <add>, %get3A_362, %reduce_sum3A_363 [1] : vector<896x896xf32> to vector<896xf32>
      %broadcast_in_dim3A_365 = vector.shape_cast %reduce_sum3A_364 : vector<896xf32> to vector<896x1xf32>
      %max3A_366 = arith.constant 1.000000e+00 : f32
      %max3A_367 = vector.broadcast %max3A_366 : f32 to vector<896x1xf32>
      %max3A_368 = arith.maximumf %broadcast_in_dim3A_365, %max3A_367 : vector<896x1xf32>
      %div3A_369 = vector.broadcast %max3A_368 : vector<896x1xf32> to vector<896x896xf32>
      %div3A_370 = arith.divf %get3A_362, %div3A_369 : vector<896x896xf32>
      %swap3A_371 = arith.constant 0 : index
      %swap3A_372 = arith.constant 0 : index
      %swap3A_373 = vector.load %arg30[%swap3A_371, %swap3A_372] : memref<896x896xf32, #tpu.memory_space<vmem>>, vector<896x896xf32>
      tpu.vector_store %arg30[%swap3A_371, %swap3A_372], %div3A_370 {strides = array<i32>} : memref<896x896xf32, #tpu.memory_space<vmem>>, vector<896x896xf32>,
      %get3A_374 = arith.constant 0 : index
      %get3A_375 = arith.constant 0 : index
      %get3A_376 = vector.load %arg4[%get3A_374, %get3A_375] : memref<896x20xf32, #tpu.memory_space<vmem>>, vector<896x20xf32>
      %get3A_377 = arith.constant 0 : index
      %get3A_378 = arith.constant 0 : index
      %get3A_379 = vector.load %arg6[%get3A_377, %get3A_378] : memref<20x128xf32, #tpu.memory_space<vmem>>, vector<20x128xf32>
      %dot_general3A_380 = arith.constant dense<0.000000e+00> : vector<896x128xf32>
      %dot_general3A_381 = tpu.matmul %get3A_376, %get3A_379, %dot_general3A_380 {dimension_numbers = #tpu.dot_dimension_numbers<[1], [0], [0], [1], [0, 0, 1, 1], [], []>, transpose_lhs_hint = false} : vector<896x20xf32>, vector<20x128xf32>, vector<896x128xf32> -> vector<896x128xf32>
      %max3A_382 = arith.constant 0.000000e+00 : f32
      %max3A_383 = vector.broadcast %max3A_382 : f32 to vector<896x128xf32>
      %max3A_384 = arith.maximumf %dot_general3A_381, %max3A_383 : vector<896x128xf32>
      %get3A_385 = arith.constant 0 : index
      %get3A_386 = arith.constant 0 : index
      %get3A_387 = vector.load %arg7[%get3A_385, %get3A_386] : memref<128x128xf32, #tpu.memory_space<vmem>>, vector<128x128xf32>
      %dot_general3A_388 = arith.constant dense<0.000000e+00> : vector<896x128xf32>
      %dot_general3A_389 = tpu.matmul %max3A_384, %get3A_387, %dot_general3A_388 {dimension_numbers = #tpu.dot_dimension_numbers<[1], [0], [0], [1], [0, 0, 1, 1], [], []>, transpose_lhs_hint = false} : vector<896x128xf32>, vector<128x128xf32>, vector<896x128xf32> -> vector<896x128xf32>
      %max3A_390 = arith.constant 0.000000e+00 : f32
      %max3A_391 = vector.broadcast %max3A_390 : f32 to vector<896x128xf32>
      %max3A_392 = arith.maximumf %dot_general3A_389, %max3A_391 : vector<896x128xf32>
      %get3A_393 = arith.constant 1280 : index
      %get3A_394 = arith.constant 0 : index
      %get3A_395 = vector.load %arg8[%get3A_393, %get3A_394] : memref<2816x256xf32, #tpu.memory_space<vmem>>, vector<128x256xf32>
      %dot_general3A_396 = arith.constant dense<0.000000e+00> : vector<896x256xf32>
      %dot_general3A_397 = tpu.matmul %max3A_392, %get3A_395, %dot_general3A_396 {dimension_numbers = #tpu.dot_dimension_numbers<[1], [0], [0], [1], [0, 0, 1, 1], [], []>, transpose_lhs_hint = false} : vector<896x128xf32>, vector<128x256xf32>, vector<896x256xf32> -> vector<896x256xf32>
      %get3A_398 = arith.constant 2688 : index
      %get3A_399 = arith.constant 0 : index
      %get3A_400 = vector.load %arg8[%get3A_398, %get3A_399] : memref<2816x256xf32, #tpu.memory_space<vmem>>, vector<128x256xf32>
      %dot_general3A_401 = arith.constant dense<0.000000e+00> : vector<896x256xf32>
      %dot_general3A_402 = tpu.matmul %max3A_392, %get3A_400, %dot_general3A_401 {dimension_numbers = #tpu.dot_dimension_numbers<[1], [0], [0], [1], [0, 0, 1, 1], [], []>, transpose_lhs_hint = false} : vector<896x128xf32>, vector<128x256xf32>, vector<896x256xf32> -> vector<896x256xf32>
      %dot_general3A_403 = arith.constant dense<0.000000e+00> : vector<896x256xf32>
      %dot_general3A_404 = tpu.matmul %div3A_370, %dot_general3A_402, %dot_general3A_403 {dimension_numbers = #tpu.dot_dimension_numbers<[1], [0], [0], [1], [0, 0, 1, 1], [], []>, transpose_lhs_hint = false} : vector<896x896xf32>, vector<896x256xf32>, vector<896x256xf32> -> vector<896x256xf32>
      %add3A_405 = arith.addf %dot_general3A_397, %dot_general3A_404 : vector<896x256xf32>
      %get3A_406 = arith.constant 0 : index
      %get3A_407 = arith.constant 0 : index
      %get3A_408 = vector.load %arg9[%get3A_406, %get3A_407] : memref<1x256xf32, #tpu.memory_space<vmem>>, vector<1x256xf32>
      %add3A_409 = vector.broadcast %get3A_408 : vector<1x256xf32> to vector<896x256xf32>
      %add3A_410 = arith.addf %add3A_405, %add3A_409 : vector<896x256xf32>
      %swap3A_411 = arith.constant 0 : index
      %swap3A_412 = arith.constant 0 : index
      %swap3A_413 = vector.load %arg31[%swap3A_411, %swap3A_412] : memref<896x256xf32, #tpu.memory_space<vmem>>, vector<896x256xf32>
      tpu.vector_store %arg31[%swap3A_411, %swap3A_412], %add3A_410 {strides = array<i32>} : memref<896x256xf32, #tpu.memory_space<vmem>>, vector<896x256xf32>,
    } else {
    }
    %get3A = arith.constant 0 : index
    %get3A_2 = arith.constant 0 : index
    %get3A_3 = vector.load %arg30[%get3A, %get3A_2] : memref<896x896xf32, #tpu.memory_space<vmem>>, vector<896x896xf32>
    %get3A_4 = arith.constant 0 : index
    %get3A_5 = arith.constant 0 : index
    %get3A_6 = vector.load %arg31[%get3A_4, %get3A_5] : memref<896x256xf32, #tpu.memory_space<vmem>>, vector<896x256xf32>
    %get3A_7 = arith.constant 0 : index
    %get3A_8 = arith.constant 0 : index
    %get3A_9 = arith.constant 0 : index
    %get3A_10 = vector.load %arg2[%get3A_7, %get3A_8, %get3A_9] : memref<1x883x1280xf32, #tpu.memory_space<vmem>>, vector<1x883x1280xf32>
    %get3A_11 = vector.shape_cast %get3A_10 : vector<1x883x1280xf32> to vector<883x1280xf32>
    %get3A_12 = arith.constant 0 : index
    %get3A_13 = arith.constant 0 : index
    %get3A_14 = vector.load %arg8[%get3A_12, %get3A_13] : memref<2816x256xf32, #tpu.memory_space<vmem>>, vector<1280x256xf32>
    %dot_general3A = arith.constant dense<0.000000e+00> : vector<883x256xf32>
    %dot_general3A_15 = tpu.matmul %get3A_11, %get3A_14, %dot_general3A {dimension_numbers = #tpu.dot_dimension_numbers<[1], [0], [0], [1], [0, 0, 1, 1], [], []>, transpose_lhs_hint = false} : vector<883x1280xf32>, vector<1280x256xf32>, vector<883x256xf32> -> vector<883x256xf32>
    %broadcast_in_dim3A = arith.constant 0.000000e+00 : f32
    %broadcast_in_dim3A_16 = vector.broadcast %broadcast_in_dim3A : f32 to vector<13x256xf32>
    %concatenate3A = tpu.concatenate %dot_general3A_15, %broadcast_in_dim3A_16 in 0 : vector<883x256xf32>, vector<13x256xf32> -> vector<896x256xf32>
    %get3A_17 = arith.constant 1408 : index
    %get3A_18 = arith.constant 0 : index
    %get3A_19 = vector.load %arg8[%get3A_17, %get3A_18] : memref<2816x256xf32, #tpu.memory_space<vmem>>, vector<1280x256xf32>
    %dot_general3A_20 = arith.constant dense<0.000000e+00> : vector<883x256xf32>
    %dot_general3A_21 = tpu.matmul %get3A_11, %get3A_19, %dot_general3A_20 {dimension_numbers = #tpu.dot_dimension_numbers<[1], [0], [0], [1], [0, 0, 1, 1], [], []>, transpose_lhs_hint = false} : vector<883x1280xf32>, vector<1280x256xf32>, vector<883x256xf32> -> vector<883x256xf32>
    %broadcast_in_dim3A_22 = arith.constant 0.000000e+00 : f32
    %broadcast_in_dim3A_23 = vector.broadcast %broadcast_in_dim3A_22 : f32 to vector<13x256xf32>
    %concatenate3A_24 = tpu.concatenate %dot_general3A_21, %broadcast_in_dim3A_23 in 0 : vector<883x256xf32>, vector<13x256xf32> -> vector<896x256xf32>
    %dot_general3A_25 = arith.constant dense<0.000000e+00> : vector<896x256xf32>
    %dot_general3A_26 = tpu.matmul %get3A_3, %concatenate3A_24, %dot_general3A_25 {dimension_numbers = #tpu.dot_dimension_numbers<[1], [0], [0], [1], [0, 0, 1, 1], [], []>, transpose_lhs_hint = false} : vector<896x896xf32>, vector<896x256xf32>, vector<896x256xf32> -> vector<896x256xf32>
    %add3A = arith.addf %concatenate3A, %dot_general3A_26 : vector<896x256xf32>
    %add3A_27 = arith.addf %add3A, %get3A_6 : vector<896x256xf32>
    %max3A = arith.constant 0.000000e+00 : f32
    %max3A_28 = vector.broadcast %max3A : f32 to vector<896x256xf32>
    %max3A_29 = arith.maximumf %add3A_27, %max3A_28 : vector<896x256xf32>
    %get3A_30 = arith.constant 0 : index
    %get3A_31 = arith.constant 0 : index
    %get3A_32 = vector.load %arg10[%get3A_30, %get3A_31] : memref<512x256xf32, #tpu.memory_space<vmem>>, vector<256x256xf32>
    %dot_general3A_33 = arith.constant dense<0.000000e+00> : vector<896x256xf32>
    %dot_general3A_34 = tpu.matmul %max3A_29, %get3A_32, %dot_general3A_33 {dimension_numbers = #tpu.dot_dimension_numbers<[1], [0], [0], [1], [0, 0, 1, 1], [], []>, transpose_lhs_hint = false} : vector<896x256xf32>, vector<256x256xf32>, vector<896x256xf32> -> vector<896x256xf32>
    %get3A_35 = arith.constant 256 : index
    %get3A_36 = arith.constant 0 : index
    %get3A_37 = vector.load %arg10[%get3A_35, %get3A_36] : memref<512x256xf32, #tpu.memory_space<vmem>>, vector<256x256xf32>
    %dot_general3A_38 = arith.constant dense<0.000000e+00> : vector<896x256xf32>
    %dot_general3A_39 = tpu.matmul %max3A_29, %get3A_37, %dot_general3A_38 {dimension_numbers = #tpu.dot_dimension_numbers<[1], [0], [0], [1], [0, 0, 1, 1], [], []>, transpose_lhs_hint = false} : vector<896x256xf32>, vector<256x256xf32>, vector<896x256xf32> -> vector<896x256xf32>
    %dot_general3A_40 = arith.constant dense<0.000000e+00> : vector<896x256xf32>
    %dot_general3A_41 = tpu.matmul %get3A_3, %dot_general3A_39, %dot_general3A_40 {dimension_numbers = #tpu.dot_dimension_numbers<[1], [0], [0], [1], [0, 0, 1, 1], [], []>, transpose_lhs_hint = false} : vector<896x896xf32>, vector<896x256xf32>, vector<896x256xf32> -> vector<896x256xf32>
    %add3A_42 = arith.addf %dot_general3A_34, %dot_general3A_41 : vector<896x256xf32>
    %get3A_43 = arith.constant 0 : index
    %get3A_44 = arith.constant 0 : index
    %get3A_45 = vector.load %arg11[%get3A_43, %get3A_44] : memref<1x256xf32, #tpu.memory_space<vmem>>, vector<1x256xf32>
    %add3A_46 = vector.broadcast %get3A_45 : vector<1x256xf32> to vector<896x256xf32>
    %add3A_47 = arith.addf %add3A_42, %add3A_46 : vector<896x256xf32>
    %max3A_48 = arith.constant 0.000000e+00 : f32
    %max3A_49 = vector.broadcast %max3A_48 : f32 to vector<896x256xf32>
    %max3A_50 = arith.maximumf %add3A_47, %max3A_49 : vector<896x256xf32>
    %get3A_51 = arith.constant 0 : index
    %get3A_52 = arith.constant 0 : index
    %get3A_53 = arith.constant 0 : index
    %get3A_54 = vector.load %arg3[%get3A_51, %get3A_52, %get3A_53] : memref<1x883x1280xf32, #tpu.memory_space<vmem>>, vector<1x883x1280xf32>
    %get3A_55 = vector.shape_cast %get3A_54 : vector<1x883x1280xf32> to vector<883x1280xf32>
    %get3A_56 = arith.constant 0 : index
    %get3A_57 = arith.constant 0 : index
    %get3A_58 = vector.load %arg8[%get3A_56, %get3A_57] : memref<2816x256xf32, #tpu.memory_space<vmem>>, vector<1280x256xf32>
    %dot_general3A_59 = arith.constant dense<0.000000e+00> : vector<883x256xf32>
    %dot_general3A_60 = tpu.matmul %get3A_55, %get3A_58, %dot_general3A_59 {dimension_numbers = #tpu.dot_dimension_numbers<[1], [0], [0], [1], [0, 0, 1, 1], [], []>, transpose_lhs_hint = false} : vector<883x1280xf32>, vector<1280x256xf32>, vector<883x256xf32> -> vector<883x256xf32>
    %broadcast_in_dim3A_61 = arith.constant 0.000000e+00 : f32
    %broadcast_in_dim3A_62 = vector.broadcast %broadcast_in_dim3A_61 : f32 to vector<13x256xf32>
    %concatenate3A_63 = tpu.concatenate %dot_general3A_60, %broadcast_in_dim3A_62 in 0 : vector<883x256xf32>, vector<13x256xf32> -> vector<896x256xf32>
    %get3A_64 = arith.constant 1408 : index
    %get3A_65 = arith.constant 0 : index
    %get3A_66 = vector.load %arg8[%get3A_64, %get3A_65] : memref<2816x256xf32, #tpu.memory_space<vmem>>, vector<1280x256xf32>
    %dot_general3A_67 = arith.constant dense<0.000000e+00> : vector<883x256xf32>
    %dot_general3A_68 = tpu.matmul %get3A_55, %get3A_66, %dot_general3A_67 {dimension_numbers = #tpu.dot_dimension_numbers<[1], [0], [0], [1], [0, 0, 1, 1], [], []>, transpose_lhs_hint = false} : vector<883x1280xf32>, vector<1280x256xf32>, vector<883x256xf32> -> vector<883x256xf32>
    %broadcast_in_dim3A_69 = arith.constant 0.000000e+00 : f32
    %broadcast_in_dim3A_70 = vector.broadcast %broadcast_in_dim3A_69 : f32 to vector<13x256xf32>
    %concatenate3A_71 = tpu.concatenate %dot_general3A_68, %broadcast_in_dim3A_70 in 0 : vector<883x256xf32>, vector<13x256xf32> -> vector<896x256xf32>
    %dot_general3A_72 = arith.constant dense<0.000000e+00> : vector<896x256xf32>
    %dot_general3A_73 = tpu.matmul %get3A_3, %concatenate3A_71, %dot_general3A_72 {dimension_numbers = #tpu.dot_dimension_numbers<[1], [0], [0], [1], [0, 0, 1, 1], [], []>, transpose_lhs_hint = false} : vector<896x896xf32>, vector<896x256xf32>, vector<896x256xf32> -> vector<896x256xf32>
    %add3A_74 = arith.addf %concatenate3A_63, %dot_general3A_73 : vector<896x256xf32>
    %add3A_75 = arith.addf %add3A_74, %get3A_6 : vector<896x256xf32>
    %max3A_76 = arith.constant 0.000000e+00 : f32
    %max3A_77 = vector.broadcast %max3A_76 : f32 to vector<896x256xf32>
    %max3A_78 = arith.maximumf %add3A_75, %max3A_77 : vector<896x256xf32>
    %get3A_79 = arith.constant 0 : index
    %get3A_80 = arith.constant 0 : index
    %get3A_81 = vector.load %arg10[%get3A_79, %get3A_80] : memref<512x256xf32, #tpu.memory_space<vmem>>, vector<256x256xf32>
    %dot_general3A_82 = arith.constant dense<0.000000e+00> : vector<896x256xf32>
    %dot_general3A_83 = tpu.matmul %max3A_78, %get3A_81, %dot_general3A_82 {dimension_numbers = #tpu.dot_dimension_numbers<[1], [0], [0], [1], [0, 0, 1, 1], [], []>, transpose_lhs_hint = false} : vector<896x256xf32>, vector<256x256xf32>, vector<896x256xf32> -> vector<896x256xf32>
    %get3A_84 = arith.constant 256 : index
    %get3A_85 = arith.constant 0 : index
    %get3A_86 = vector.load %arg10[%get3A_84, %get3A_85] : memref<512x256xf32, #tpu.memory_space<vmem>>, vector<256x256xf32>
    %dot_general3A_87 = arith.constant dense<0.000000e+00> : vector<896x256xf32>
    %dot_general3A_88 = tpu.matmul %max3A_78, %get3A_86, %dot_general3A_87 {dimension_numbers = #tpu.dot_dimension_numbers<[1], [0], [0], [1], [0, 0, 1, 1], [], []>, transpose_lhs_hint = false} : vector<896x256xf32>, vector<256x256xf32>, vector<896x256xf32> -> vector<896x256xf32>
    %dot_general3A_89 = arith.constant dense<0.000000e+00> : vector<896x256xf32>
    %dot_general3A_90 = tpu.matmul %get3A_3, %dot_general3A_88, %dot_general3A_89 {dimension_numbers = #tpu.dot_dimension_numbers<[1], [0], [0], [1], [0, 0, 1, 1], [], []>, transpose_lhs_hint = false} : vector<896x896xf32>, vector<896x256xf32>, vector<896x256xf32> -> vector<896x256xf32>
    %add3A_91 = arith.addf %dot_general3A_83, %dot_general3A_90 : vector<896x256xf32>
    %get3A_92 = arith.constant 0 : index
    %get3A_93 = arith.constant 0 : index
    %get3A_94 = vector.load %arg11[%get3A_92, %get3A_93] : memref<1x256xf32, #tpu.memory_space<vmem>>, vector<1x256xf32>
    %add3A_95 = vector.broadcast %get3A_94 : vector<1x256xf32> to vector<896x256xf32>
    %add3A_96 = arith.addf %add3A_91, %add3A_95 : vector<896x256xf32>
    %max3A_97 = arith.constant 0.000000e+00 : f32
    %max3A_98 = vector.broadcast %max3A_97 : f32 to vector<896x256xf32>
    %max3A_99 = arith.maximumf %add3A_96, %max3A_98 : vector<896x256xf32>
    %iota3A = tpu.iota {dimensions = array<i32: 0>} : vector<896x1xi32>
    %lt3A = arith.constant 883 : i32
    %lt3A_100 = vector.broadcast %lt3A : i32 to vector<896x1xi32>
    %lt3A_101 = arith.cmpi slt, %iota3A, %lt3A_100 : vector<896x1xi32>
    %convert_element_type3A_102 = arith.extui %lt3A_101 : vector<896x1xi1> to vector<896x1xi32>
    %convert_element_type3A_103 = arith.sitofp %convert_element_type3A_102 : vector<896x1xi32> to vector<896x1xf32>
    %sub3A = arith.subf %max3A_99, %max3A_50 : vector<896x256xf32>
    %mul3A = vector.broadcast %convert_element_type3A_103 : vector<896x1xf32> to vector<896x256xf32>
    %mul3A_104 = arith.mulf %sub3A, %mul3A : vector<896x256xf32>
    %get3A_105 = arith.constant 0 : index
    %get3A_106 = arith.constant 0 : index
    %get3A_107 = arith.constant 0 : index
    %get3A_108 = vector.load %arg5[%get3A_105, %get3A_106, %get3A_107] : memref<1x1x896xf32, #tpu.memory_space<vmem>>, vector<1x1x896xf32>
    %get3A_109 = vector.shape_cast %get3A_108 : vector<1x1x896xf32> to vector<1x896xf32>
    %reduce_sum3A = vector.shape_cast %get3A_109 : vector<1x896xf32> to vector<1x1x896xf32>
    %reduce_sum3A_110 = arith.constant dense<0.000000e+00> : vector<1xf32>
    %reduce_sum3A_111 = vector.multi_reduction <add>, %reduce_sum3A, %reduce_sum3A_110 [1, 2] : vector<1x1x896xf32> to vector<1xf32>
    %reduce_sum3A_112 = vector.shape_cast %reduce_sum3A_111 : vector<1xf32> to vector<1x1x1xf32>
    %reduce_sum3A_113 = vector.extract %reduce_sum3A_112[0, 0, 0] : f32 from vector<1x1x1xf32>
    %max3A_114 = arith.constant 1.000000e+00 : f32
    %max3A_115 = arith.maximumf %reduce_sum3A_113, %max3A_114 : f32
    %dot_general3A_116 = arith.constant dense<0.000000e+00> : vector<1x256xf32>
    %dot_general3A_117 = tpu.matmul %get3A_109, %mul3A_104, %dot_general3A_116 {dimension_numbers = #tpu.dot_dimension_numbers<[1], [0], [0], [1], [0, 0, 1, 1], [], []>, transpose_lhs_hint = false} : vector<1x896xf32>, vector<896x256xf32>, vector<1x256xf32> -> vector<1x256xf32>
    %div3A = vector.broadcast %max3A_115 : f32 to vector<1x256xf32>
    %div3A_118 = arith.divf %dot_general3A_117, %div3A : vector<1x256xf32>
    %iota3A_119 = tpu.iota {dimensions = array<i32: 1>} : vector<1x896xi32>
    %lt3A_120 = arith.constant 883 : i32
    %lt3A_121 = vector.broadcast %lt3A_120 : i32 to vector<1x896xi32>
    %lt3A_122 = arith.cmpi slt, %iota3A_119, %lt3A_121 : vector<1x896xi32>
    %convert_element_type3A_123 = arith.extui %lt3A_122 : vector<1x896xi1> to vector<1x896xi32>
    %convert_element_type3A_124 = arith.sitofp %convert_element_type3A_123 : vector<1x896xi32> to vector<1x896xf32>
    %dot_general3A_125 = arith.constant dense<0.000000e+00> : vector<1x256xf32>
    %dot_general3A_126 = tpu.matmul %convert_element_type3A_124, %mul3A_104, %dot_general3A_125 {dimension_numbers = #tpu.dot_dimension_numbers<[1], [0], [0], [1], [0, 0, 1, 1], [], []>, transpose_lhs_hint = false} : vector<1x896xf32>, vector<896x256xf32>, vector<1x256xf32> -> vector<1x256xf32>
    %div3A_127 = arith.constant 8.830000e+02 : f32
    %div3A_128 = vector.broadcast %div3A_127 : f32 to vector<1x256xf32>
    %div3A_129 = arith.divf %dot_general3A_126, %div3A_128 : vector<1x256xf32>
    %get3A_130 = arith.constant 0 : index
    %get3A_131 = arith.constant 0 : index
    %get3A_132 = vector.load %arg12[%get3A_130, %get3A_131] : memref<512x256xf32, #tpu.memory_space<vmem>>, vector<256x256xf32>
    %dot_general3A_133 = arith.constant dense<0.000000e+00> : vector<1x256xf32>
    %dot_general3A_134 = tpu.matmul %div3A_118, %get3A_132, %dot_general3A_133 {dimension_numbers = #tpu.dot_dimension_numbers<[1], [0], [0], [1], [0, 0, 1, 1], [], []>, transpose_lhs_hint = false} : vector<1x256xf32>, vector<256x256xf32>, vector<1x256xf32> -> vector<1x256xf32>
    %get3A_135 = arith.constant 256 : index
    %get3A_136 = arith.constant 0 : index
    %get3A_137 = vector.load %arg12[%get3A_135, %get3A_136] : memref<512x256xf32, #tpu.memory_space<vmem>>, vector<256x256xf32>
    %dot_general3A_138 = arith.constant dense<0.000000e+00> : vector<1x256xf32>
    %dot_general3A_139 = tpu.matmul %div3A_129, %get3A_137, %dot_general3A_138 {dimension_numbers = #tpu.dot_dimension_numbers<[1], [0], [0], [1], [0, 0, 1, 1], [], []>, transpose_lhs_hint = false} : vector<1x256xf32>, vector<256x256xf32>, vector<1x256xf32> -> vector<1x256xf32>
    %add3A_140 = arith.addf %dot_general3A_134, %dot_general3A_139 : vector<1x256xf32>
    %get3A_141 = arith.constant 0 : index
    %get3A_142 = arith.constant 0 : index
    %get3A_143 = vector.load %arg13[%get3A_141, %get3A_142] : memref<1x256xf32, #tpu.memory_space<vmem>>, vector<1x256xf32>
    %add3A_144 = arith.addf %add3A_140, %get3A_143 : vector<1x256xf32>
    %max3A_145 = arith.constant 0.000000e+00 : f32
    %max3A_146 = vector.broadcast %max3A_145 : f32 to vector<1x256xf32>
    %max3A_147 = arith.maximumf %add3A_144, %max3A_146 : vector<1x256xf32>
    %swap3A = arith.constant 0 : index
    %swap3A_148 = arith.constant 0 : index
    %swap3A_149 = arith.constant 0 : index
    %swap3A_150 = vector.load %arg24[%swap3A, %swap3A_148, %swap3A_149] : memref<1x1x256xf32, #tpu.memory_space<vmem>>, vector<1x1x256xf32>
    %swap3A_151 = vector.shape_cast %swap3A_150 : vector<1x1x256xf32> to vector<1x256xf32>
    %swap3A_152 = vector.shape_cast %max3A_147 : vector<1x256xf32> to vector<1x1x256xf32>
    tpu.vector_store %arg24[%swap3A, %swap3A_148, %swap3A_149], %swap3A_152 {strides = array<i32>} : memref<1x1x256xf32, #tpu.memory_space<vmem>>, vector<1x1x256xf32>,
    %get3A_153 = arith.constant 0 : index
    %get3A_154 = arith.constant 0 : index
    %get3A_155 = arith.constant 0 : index
    %get3A_156 = vector.load %arg14[%get3A_153, %get3A_154, %get3A_155] : memref<8x256x128xf32, #tpu.memory_space<vmem>>, vector<1x256x128xf32>
    %get3A_157 = vector.shape_cast %get3A_156 : vector<1x256x128xf32> to vector<256x128xf32>
    %dot_general3A_158 = arith.constant dense<0.000000e+00> : vector<1x128xf32>
    %dot_general3A_159 = tpu.matmul %max3A_147, %get3A_157, %dot_general3A_158 {dimension_numbers = #tpu.dot_dimension_numbers<[1], [0], [0], [1], [0, 0, 1, 1], [], []>, transpose_lhs_hint = false} : vector<1x256xf32>, vector<256x128xf32>, vector<1x128xf32> -> vector<1x128xf32>
    %get3A_160 = arith.constant 0 : index
    %get3A_161 = arith.constant 0 : index
    %get3A_162 = vector.load %arg15[%get3A_160, %get3A_161] : memref<8x128xf32, #tpu.memory_space<vmem>>, vector<1x128xf32>
    %add3A_163 = arith.addf %dot_general3A_159, %get3A_162 : vector<1x128xf32>
    %max3A_164 = arith.constant 0.000000e+00 : f32
    %max3A_165 = vector.broadcast %max3A_164 : f32 to vector<1x128xf32>
    %max3A_166 = arith.maximumf %add3A_163, %max3A_165 : vector<1x128xf32>
    %get3A_167 = arith.constant 1 : index
    %get3A_168 = arith.constant 0 : index
    %get3A_169 = arith.constant 0 : index
    %get3A_170 = vector.load %arg14[%get3A_167, %get3A_168, %get3A_169] : memref<8x256x128xf32, #tpu.memory_space<vmem>>, vector<1x256x128xf32>
    %get3A_171 = vector.shape_cast %get3A_170 : vector<1x256x128xf32> to vector<256x128xf32>
    %dot_general3A_172 = arith.constant dense<0.000000e+00> : vector<1x128xf32>
    %dot_general3A_173 = tpu.matmul %max3A_147, %get3A_171, %dot_general3A_172 {dimension_numbers = #tpu.dot_dimension_numbers<[1], [0], [0], [1], [0, 0, 1, 1], [], []>, transpose_lhs_hint = false} : vector<1x256xf32>, vector<256x128xf32>, vector<1x128xf32> -> vector<1x128xf32>
    %get3A_174 = arith.constant 1 : index
    %get3A_175 = arith.constant 0 : index
    %get3A_176 = vector.load %arg15[%get3A_174, %get3A_175] : memref<8x128xf32, #tpu.memory_space<vmem>>, vector<1x128xf32>
    %add3A_177 = arith.addf %dot_general3A_173, %get3A_176 : vector<1x128xf32>
    %max3A_178 = arith.constant 0.000000e+00 : f32
    %max3A_179 = vector.broadcast %max3A_178 : f32 to vector<1x128xf32>
    %max3A_180 = arith.maximumf %add3A_177, %max3A_179 : vector<1x128xf32>
    %get3A_181 = arith.constant 2 : index
    %get3A_182 = arith.constant 0 : index
    %get3A_183 = arith.constant 0 : index
    %get3A_184 = vector.load %arg14[%get3A_181, %get3A_182, %get3A_183] : memref<8x256x128xf32, #tpu.memory_space<vmem>>, vector<1x256x128xf32>
    %get3A_185 = vector.shape_cast %get3A_184 : vector<1x256x128xf32> to vector<256x128xf32>
    %dot_general3A_186 = arith.constant dense<0.000000e+00> : vector<1x128xf32>
    %dot_general3A_187 = tpu.matmul %max3A_147, %get3A_185, %dot_general3A_186 {dimension_numbers = #tpu.dot_dimension_numbers<[1], [0], [0], [1], [0, 0, 1, 1], [], []>, transpose_lhs_hint = false} : vector<1x256xf32>, vector<256x128xf32>, vector<1x128xf32> -> vector<1x128xf32>
    %get3A_188 = arith.constant 2 : index
    %get3A_189 = arith.constant 0 : index
    %get3A_190 = vector.load %arg15[%get3A_188, %get3A_189] : memref<8x128xf32, #tpu.memory_space<vmem>>, vector<1x128xf32>
    %add3A_191 = arith.addf %dot_general3A_187, %get3A_190 : vector<1x128xf32>
    %max3A_192 = arith.constant 0.000000e+00 : f32
    %max3A_193 = vector.broadcast %max3A_192 : f32 to vector<1x128xf32>
    %max3A_194 = arith.maximumf %add3A_191, %max3A_193 : vector<1x128xf32>
    %get3A_195 = arith.constant 3 : index
    %get3A_196 = arith.constant 0 : index
    %get3A_197 = arith.constant 0 : index
    %get3A_198 = vector.load %arg14[%get3A_195, %get3A_196, %get3A_197] : memref<8x256x128xf32, #tpu.memory_space<vmem>>, vector<1x256x128xf32>
    %get3A_199 = vector.shape_cast %get3A_198 : vector<1x256x128xf32> to vector<256x128xf32>
    %dot_general3A_200 = arith.constant dense<0.000000e+00> : vector<1x128xf32>
    %dot_general3A_201 = tpu.matmul %max3A_147, %get3A_199, %dot_general3A_200 {dimension_numbers = #tpu.dot_dimension_numbers<[1], [0], [0], [1], [0, 0, 1, 1], [], []>, transpose_lhs_hint = false} : vector<1x256xf32>, vector<256x128xf32>, vector<1x128xf32> -> vector<1x128xf32>
    %get3A_202 = arith.constant 3 : index
    %get3A_203 = arith.constant 0 : index
    %get3A_204 = vector.load %arg15[%get3A_202, %get3A_203] : memref<8x128xf32, #tpu.memory_space<vmem>>, vector<1x128xf32>
    %add3A_205 = arith.addf %dot_general3A_201, %get3A_204 : vector<1x128xf32>
    %max3A_206 = arith.constant 0.000000e+00 : f32
    %max3A_207 = vector.broadcast %max3A_206 : f32 to vector<1x128xf32>
    %max3A_208 = arith.maximumf %add3A_205, %max3A_207 : vector<1x128xf32>
    %get3A_209 = arith.constant 4 : index
    %get3A_210 = arith.constant 0 : index
    %get3A_211 = arith.constant 0 : index
    %get3A_212 = vector.load %arg14[%get3A_209, %get3A_210, %get3A_211] : memref<8x256x128xf32, #tpu.memory_space<vmem>>, vector<1x256x128xf32>
    %get3A_213 = vector.shape_cast %get3A_212 : vector<1x256x128xf32> to vector<256x128xf32>
    %dot_general3A_214 = arith.constant dense<0.000000e+00> : vector<1x128xf32>
    %dot_general3A_215 = tpu.matmul %max3A_147, %get3A_213, %dot_general3A_214 {dimension_numbers = #tpu.dot_dimension_numbers<[1], [0], [0], [1], [0, 0, 1, 1], [], []>, transpose_lhs_hint = false} : vector<1x256xf32>, vector<256x128xf32>, vector<1x128xf32> -> vector<1x128xf32>
    %get3A_216 = arith.constant 4 : index
    %get3A_217 = arith.constant 0 : index
    %get3A_218 = vector.load %arg15[%get3A_216, %get3A_217] : memref<8x128xf32, #tpu.memory_space<vmem>>, vector<1x128xf32>
    %add3A_219 = arith.addf %dot_general3A_215, %get3A_218 : vector<1x128xf32>
    %max3A_220 = arith.constant 0.000000e+00 : f32
    %max3A_221 = vector.broadcast %max3A_220 : f32 to vector<1x128xf32>
    %max3A_222 = arith.maximumf %add3A_219, %max3A_221 : vector<1x128xf32>
    %get3A_223 = arith.constant 5 : index
    %get3A_224 = arith.constant 0 : index
    %get3A_225 = arith.constant 0 : index
    %get3A_226 = vector.load %arg14[%get3A_223, %get3A_224, %get3A_225] : memref<8x256x128xf32, #tpu.memory_space<vmem>>, vector<1x256x128xf32>
    %get3A_227 = vector.shape_cast %get3A_226 : vector<1x256x128xf32> to vector<256x128xf32>
    %dot_general3A_228 = arith.constant dense<0.000000e+00> : vector<1x128xf32>
    %dot_general3A_229 = tpu.matmul %max3A_147, %get3A_227, %dot_general3A_228 {dimension_numbers = #tpu.dot_dimension_numbers<[1], [0], [0], [1], [0, 0, 1, 1], [], []>, transpose_lhs_hint = false} : vector<1x256xf32>, vector<256x128xf32>, vector<1x128xf32> -> vector<1x128xf32>
    %get3A_230 = arith.constant 5 : index
    %get3A_231 = arith.constant 0 : index
    %get3A_232 = vector.load %arg15[%get3A_230, %get3A_231] : memref<8x128xf32, #tpu.memory_space<vmem>>, vector<1x128xf32>
    %add3A_233 = arith.addf %dot_general3A_229, %get3A_232 : vector<1x128xf32>
    %max3A_234 = arith.constant 0.000000e+00 : f32
    %max3A_235 = vector.broadcast %max3A_234 : f32 to vector<1x128xf32>
    %max3A_236 = arith.maximumf %add3A_233, %max3A_235 : vector<1x128xf32>
    %get3A_237 = arith.constant 6 : index
    %get3A_238 = arith.constant 0 : index
    %get3A_239 = arith.constant 0 : index
    %get3A_240 = vector.load %arg14[%get3A_237, %get3A_238, %get3A_239] : memref<8x256x128xf32, #tpu.memory_space<vmem>>, vector<1x256x128xf32>
    %get3A_241 = vector.shape_cast %get3A_240 : vector<1x256x128xf32> to vector<256x128xf32>
    %dot_general3A_242 = arith.constant dense<0.000000e+00> : vector<1x128xf32>
    %dot_general3A_243 = tpu.matmul %max3A_147, %get3A_241, %dot_general3A_242 {dimension_numbers = #tpu.dot_dimension_numbers<[1], [0], [0], [1], [0, 0, 1, 1], [], []>, transpose_lhs_hint = false} : vector<1x256xf32>, vector<256x128xf32>, vector<1x128xf32> -> vector<1x128xf32>
    %get3A_244 = arith.constant 6 : index
    %get3A_245 = arith.constant 0 : index
    %get3A_246 = vector.load %arg15[%get3A_244, %get3A_245] : memref<8x128xf32, #tpu.memory_space<vmem>>, vector<1x128xf32>
    %add3A_247 = arith.addf %dot_general3A_243, %get3A_246 : vector<1x128xf32>
    %max3A_248 = arith.constant 0.000000e+00 : f32
    %max3A_249 = vector.broadcast %max3A_248 : f32 to vector<1x128xf32>
    %max3A_250 = arith.maximumf %add3A_247, %max3A_249 : vector<1x128xf32>
    %get3A_251 = arith.constant 7 : index
    %get3A_252 = arith.constant 0 : index
    %get3A_253 = arith.constant 0 : index
    %get3A_254 = vector.load %arg14[%get3A_251, %get3A_252, %get3A_253] : memref<8x256x128xf32, #tpu.memory_space<vmem>>, vector<1x256x128xf32>
    %get3A_255 = vector.shape_cast %get3A_254 : vector<1x256x128xf32> to vector<256x128xf32>
    %dot_general3A_256 = arith.constant dense<0.000000e+00> : vector<1x128xf32>
    %dot_general3A_257 = tpu.matmul %max3A_147, %get3A_255, %dot_general3A_256 {dimension_numbers = #tpu.dot_dimension_numbers<[1], [0], [0], [1], [0, 0, 1, 1], [], []>, transpose_lhs_hint = false} : vector<1x256xf32>, vector<256x128xf32>, vector<1x128xf32> -> vector<1x128xf32>
    %get3A_258 = arith.constant 7 : index
    %get3A_259 = arith.constant 0 : index
    %get3A_260 = vector.load %arg15[%get3A_258, %get3A_259] : memref<8x128xf32, #tpu.memory_space<vmem>>, vector<1x128xf32>
    %add3A_261 = arith.addf %dot_general3A_257, %get3A_260 : vector<1x128xf32>
    %max3A_262 = arith.constant 0.000000e+00 : f32
    %max3A_263 = vector.broadcast %max3A_262 : f32 to vector<1x128xf32>
    %max3A_264 = arith.maximumf %add3A_261, %max3A_263 : vector<1x128xf32>
    %concatenate3A_265 = tpu.concatenate %max3A_166, %max3A_180, %max3A_194, %max3A_208, %max3A_222, %max3A_236, %max3A_250, %max3A_264 in 0 : vector<1x128xf32>, vector<1x128xf32>, vector<1x128xf32>, vector<1x128xf32>, vector<1x128xf32>, vector<1x128xf32>, vector<1x128xf32>, vector<1x128xf32> -> vector<8x128xf32>
    %broadcast_in_dim3A_266 = arith.constant 1.000000e+00 : f32
    %broadcast_in_dim3A_267 = vector.broadcast %broadcast_in_dim3A_266 : f32 to vector<128x1xf32>
    %get3A_268 = arith.constant 0 : index
    %get3A_269 = arith.constant 0 : index
    %get3A_270 = vector.load %arg16[%get3A_268, %get3A_269] : memref<8x128xf32, #tpu.memory_space<vmem>>, vector<8x128xf32>
    %mul3A_271 = arith.mulf %concatenate3A_265, %get3A_270 : vector<8x128xf32>
    %dot_general3A_272 = arith.constant dense<0.000000e+00> : vector<8x1xf32>
    %dot_general3A_273 = tpu.matmul %mul3A_271, %broadcast_in_dim3A_267, %dot_general3A_272 {dimension_numbers = #tpu.dot_dimension_numbers<[1], [0], [0], [1], [0, 0, 1, 1], [], []>, transpose_lhs_hint = false} : vector<8x128xf32>, vector<128x1xf32>, vector<8x1xf32> -> vector<8x1xf32>
    %get3A_274 = arith.constant 0 : index
    %get3A_275 = arith.constant 0 : index
    %get3A_276 = vector.load %arg17[%get3A_274, %get3A_275] : memref<8x1xf32, #tpu.memory_space<vmem>>, vector<8x1xf32>
    %add3A_277 = arith.addf %dot_general3A_273, %get3A_276 : vector<8x1xf32>
    %neg3A = arith.constant 0.000000e+00 : f32
    %neg3A_278 = vector.broadcast %neg3A : f32 to vector<8x1xf32>
    %neg3A_279 = arith.subf %neg3A_278, %add3A_277 : vector<8x1xf32>
    %exp3A = math.exp %neg3A_279 : vector<8x1xf32>
    %add3A_280 = arith.constant 1.000000e+00 : f32
    %add3A_281 = vector.broadcast %add3A_280 : f32 to vector<8x1xf32>
    %add3A_282 = arith.addf %add3A_281, %exp3A : vector<8x1xf32>
    %div3A_283 = arith.constant 1.000000e+00 : f32
    %div3A_284 = vector.broadcast %div3A_283 : f32 to vector<8x1xf32>
    %div3A_285 = arith.divf %div3A_284, %add3A_282 : vector<8x1xf32>
    %swap3A_286 = arith.constant 0 : index
    %swap3A_287 = arith.constant 0 : index
    %swap3A_288 = arith.constant 0 : index
    %swap3A_289 = vector.load %arg25[%swap3A_286, %swap3A_287, %swap3A_288] : memref<1x8x1xf32, #tpu.memory_space<vmem>>, vector<1x8x1xf32>
    %swap3A_290 = vector.shape_cast %swap3A_289 : vector<1x8x1xf32> to vector<8x1xf32>
    %swap3A_291 = vector.shape_cast %div3A_285 : vector<8x1xf32> to vector<1x8x1xf32>
    tpu.vector_store %arg25[%swap3A_286, %swap3A_287, %swap3A_288], %swap3A_291 {strides = array<i32>} : memref<1x8x1xf32, #tpu.memory_space<vmem>>, vector<1x8x1xf32>,
    %get3A_292 = arith.constant 0 : index
    %get3A_293 = arith.constant 0 : index
    %get3A_294 = vector.load %arg18[%get3A_292, %get3A_293] : memref<8x128xf32, #tpu.memory_space<vmem>>, vector<8x128xf32>
    %mul3A_295 = arith.mulf %concatenate3A_265, %get3A_294 : vector<8x128xf32>
    %dot_general3A_296 = arith.constant dense<0.000000e+00> : vector<8x1xf32>
    %dot_general3A_297 = tpu.matmul %mul3A_295, %broadcast_in_dim3A_267, %dot_general3A_296 {dimension_numbers = #tpu.dot_dimension_numbers<[1], [0], [0], [1], [0, 0, 1, 1], [], []>, transpose_lhs_hint = false} : vector<8x128xf32>, vector<128x1xf32>, vector<8x1xf32> -> vector<8x1xf32>
    %get3A_298 = arith.constant 0 : index
    %get3A_299 = arith.constant 0 : index
    %get3A_300 = vector.load %arg19[%get3A_298, %get3A_299] : memref<8x1xf32, #tpu.memory_space<vmem>>, vector<8x1xf32>
    %add3A_301 = arith.addf %dot_general3A_297, %get3A_300 : vector<8x1xf32>
    %swap3A_302 = arith.constant 0 : index
    %swap3A_303 = arith.constant 0 : index
    %swap3A_304 = arith.constant 0 : index
    %swap3A_305 = vector.load %arg27[%swap3A_302, %swap3A_303, %swap3A_304] : memref<1x8x1xf32, #tpu.memory_space<vmem>>, vector<1x8x1xf32>
    %swap3A_306 = vector.shape_cast %swap3A_305 : vector<1x8x1xf32> to vector<8x1xf32>
    %swap3A_307 = vector.shape_cast %add3A_301 : vector<8x1xf32> to vector<1x8x1xf32>
    tpu.vector_store %arg27[%swap3A_302, %swap3A_303, %swap3A_304], %swap3A_307 {strides = array<i32>} : memref<1x8x1xf32, #tpu.memory_space<vmem>>, vector<1x8x1xf32>,
    %get3A_308 = arith.constant 0 : index
    %get3A_309 = arith.constant 0 : index
    %get3A_310 = vector.load %arg20[%get3A_308, %get3A_309] : memref<8x128xf32, #tpu.memory_space<vmem>>, vector<8x128xf32>
    %mul3A_311 = arith.mulf %concatenate3A_265, %get3A_310 : vector<8x128xf32>
    %dot_general3A_312 = arith.constant dense<0.000000e+00> : vector<8x1xf32>
    %dot_general3A_313 = tpu.matmul %mul3A_311, %broadcast_in_dim3A_267, %dot_general3A_312 {dimension_numbers = #tpu.dot_dimension_numbers<[1], [0], [0], [1], [0, 0, 1, 1], [], []>, transpose_lhs_hint = false} : vector<8x128xf32>, vector<128x1xf32>, vector<8x1xf32> -> vector<8x1xf32>
    %get3A_314 = arith.constant 0 : index
    %get3A_315 = arith.constant 0 : index
    %get3A_316 = vector.load %arg21[%get3A_314, %get3A_315] : memref<8x1xf32, #tpu.memory_space<vmem>>, vector<8x1xf32>
    %add3A_317 = arith.addf %dot_general3A_313, %get3A_316 : vector<8x1xf32>
    %max3A_318 = arith.constant 0.000000e+00 : f32
    %max3A_319 = vector.broadcast %max3A_318 : f32 to vector<8x1xf32>
    %max3A_320 = arith.maximumf %add3A_317, %max3A_319 : vector<8x1xf32>
    %abs3A = math.absf %add3A_317 : vector<8x1xf32>
    %neg3A_321 = arith.constant 0.000000e+00 : f32
    %neg3A_322 = vector.broadcast %neg3A_321 : f32 to vector<8x1xf32>
    %neg3A_323 = arith.subf %neg3A_322, %abs3A : vector<8x1xf32>
    %exp3A_324 = math.exp %neg3A_323 : vector<8x1xf32>
    %log1p3A = math.log1p %exp3A_324 : vector<8x1xf32>
    %add3A_325 = arith.addf %max3A_320, %log1p3A : vector<8x1xf32>
    %swap3A_326 = arith.constant 0 : index
    %swap3A_327 = arith.constant 0 : index
    %swap3A_328 = arith.constant 0 : index
    %swap3A_329 = vector.load %arg28[%swap3A_326, %swap3A_327, %swap3A_328] : memref<1x8x1xf32, #tpu.memory_space<vmem>>, vector<1x8x1xf32>
    %swap3A_330 = vector.shape_cast %swap3A_329 : vector<1x8x1xf32> to vector<8x1xf32>
    %swap3A_331 = vector.shape_cast %add3A_325 : vector<8x1xf32> to vector<1x8x1xf32>
    tpu.vector_store %arg28[%swap3A_326, %swap3A_327, %swap3A_328], %swap3A_331 {strides = array<i32>} : memref<1x8x1xf32, #tpu.memory_space<vmem>>, vector<1x8x1xf32>,
    %get3A_332 = arith.constant 0 : index
    %get3A_333 = arith.constant 0 : index
    %get3A_334 = vector.load %arg22[%get3A_332, %get3A_333] : memref<256x8xf32, #tpu.memory_space<vmem>>, vector<256x8xf32>
    %dot_general3A_335 = arith.constant dense<0.000000e+00> : vector<1x8xf32>
    %dot_general3A_336 = tpu.matmul %max3A_147, %get3A_334, %dot_general3A_335 {dimension_numbers = #tpu.dot_dimension_numbers<[1], [0], [0], [1], [0, 0, 1, 1], [], []>, transpose_lhs_hint = false} : vector<1x256xf32>, vector<256x8xf32>, vector<1x8xf32> -> vector<1x8xf32>
    %get3A_337 = arith.constant 0 : index
    %get3A_338 = arith.constant 0 : index
    %get3A_339 = vector.load %arg23[%get3A_337, %get3A_338] : memref<1x8xf32, #tpu.memory_space<vmem>>, vector<1x8xf32>
    %add3A_340 = arith.addf %dot_general3A_336, %get3A_339 : vector<1x8xf32>
    %swap3A_341 = arith.constant 0 : index
    %swap3A_342 = arith.constant 0 : index
    %swap3A_343 = arith.constant 0 : index
    %swap3A_344 = vector.load %arg26[%swap3A_341, %swap3A_342, %swap3A_343] : memref<1x1x8xf32, #tpu.memory_space<vmem>>, vector<1x1x8xf32>
    %swap3A_345 = vector.shape_cast %swap3A_344 : vector<1x1x8xf32> to vector<1x8xf32>
    %swap3A_346 = vector.shape_cast %add3A_340 : vector<1x8xf32> to vector<1x1x8xf32>
    tpu.vector_store %arg26[%swap3A_341, %swap3A_342, %swap3A_343], %swap3A_346 {strides = array<i32>} : memref<1x1x8xf32, #tpu.memory_space<vmem>>, vector<1x1x8xf32>,
    %reduce_max3A = arith.constant dense<0xFF800000> : vector<1xf32>
    %reduce_max3A_347 = vector.multi_reduction <maximumf>, %add3A_340, %reduce_max3A [1] : vector<1x8xf32> to vector<1xf32>
    %broadcast_in_dim3A_348 = vector.shape_cast %reduce_max3A_347 : vector<1xf32> to vector<1x1xf32>
    %iota3A_349 = tpu.iota {dimensions = array<i32: 1>} : vector<1x8xi32>
    %ge3A = vector.broadcast %broadcast_in_dim3A_348 : vector<1x1xf32> to vector<1x8xf32>
    %ge3A_350 = arith.cmpf oge, %add3A_340, %ge3A : vector<1x8xf32>
    %jit3A = arith.constant 1073741824 : i32
    %broadcast_in_dim3A_351 = vector.broadcast %jit3A : i32 to vector<1x8xi32>
    %select_n3A = arith.select %ge3A_350, %iota3A_349, %broadcast_in_dim3A_351 : vector<1x8xi1>, vector<1x8xi32>
    %reduce_min3A = arith.constant dense<2147483647> : vector<1xi32>
    %reduce_min3A_352 = vector.multi_reduction <minsi>, %select_n3A, %reduce_min3A [1] : vector<1x8xi32> to vector<1xi32>
    %broadcast_in_dim3A_353 = vector.shape_cast %reduce_min3A_352 : vector<1xi32> to vector<1x1xi32>
    %swap3A_354 = arith.constant 0 : index
    %swap3A_355 = arith.constant 0 : index
    %swap3A_356 = arith.constant 0 : index
    %swap3A_357 = vector.load %arg29[%swap3A_354, %swap3A_355, %swap3A_356] : memref<1x1x1xi32, #tpu.memory_space<vmem>>, vector<1x1x1xi32>
    %swap3A_358 = vector.shape_cast %swap3A_357 : vector<1x1x1xi32> to vector<1x1xi32>
    %swap3A_359 = vector.shape_cast %broadcast_in_dim3A_353 : vector<1x1xi32> to vector<1x1x1xi32>
    tpu.vector_store %arg29[%swap3A_354, %swap3A_355, %swap3A_356], %swap3A_359 {strides = array<i32>} : memref<1x1x1xi32, #tpu.memory_space<vmem>>, vector<1x1x1xi32>,
    return
  }
  func.func @transform_0(%arg0: i32) -> (i32, i32) {
    %c0_i32 = arith.constant 0 : i32
    %c0_i32_0 = arith.constant 0 : i32
    %c0_i32_1 = arith.constant 0 : i32
    return %c0_i32, %c0_i32_0 : i32, i32
  }
  func.func @transform_1(%arg0: i32) -> (i32, i32, i32) {
    %c0_i32 = arith.constant 0 : i32
    %c0_i32_0 = arith.constant 0 : i32
    %c0_i32_1 = arith.constant 0 : i32
    return %arg0, %c0_i32, %c0_i32_0 : i32, i32, i32
  }
  func.func @transform_2(%arg0: i32) -> (i32, i32, i32) {
    %c0_i32 = arith.constant 0 : i32
    %c0_i32_0 = arith.constant 0 : i32
    %c0_i32_1 = arith.constant 0 : i32
    return %arg0, %c0_i32, %c0_i32_0 : i32, i32, i32
  }
  func.func @transform_3(%arg0: i32) -> (i32, i32) {
    %c0_i32 = arith.constant 0 : i32
    %c0_i32_0 = arith.constant 0 : i32
    %c0_i32_1 = arith.constant 0 : i32
    return %c0_i32, %c0_i32_0 : i32, i32
  }
  func.func @transform_4(%arg0: i32) -> (i32, i32, i32) {
    %c0_i32 = arith.constant 0 : i32
    %c0_i32_0 = arith.constant 0 : i32
    %c0_i32_1 = arith.constant 0 : i32
    return %arg0, %c0_i32, %c0_i32_0 : i32, i32, i32
  }
  func.func @transform_5(%arg0: i32) -> (i32, i32) {
    %c0_i32 = arith.constant 0 : i32
    %c0_i32_0 = arith.constant 0 : i32
    %c0_i32_1 = arith.constant 0 : i32
    return %c0_i32, %c0_i32_0 : i32, i32
  }
  func.func @transform_6(%arg0: i32) -> (i32, i32) {
    %c0_i32 = arith.constant 0 : i32
    %c0_i32_0 = arith.constant 0 : i32
    %c0_i32_1 = arith.constant 0 : i32
    return %c0_i32, %c0_i32_0 : i32, i32
  }
  func.func @transform_7(%arg0: i32) -> (i32, i32) {
    %c0_i32 = arith.constant 0 : i32
    %c0_i32_0 = arith.constant 0 : i32
    %c0_i32_1 = arith.constant 0 : i32
    return %c0_i32, %c0_i32_0 : i32, i32
  }
  func.func @transform_8(%arg0: i32) -> (i32, i32) {
    %c0_i32 = arith.constant 0 : i32
    %c0_i32_0 = arith.constant 0 : i32
    %c0_i32_1 = arith.constant 0 : i32
    return %c0_i32, %c0_i32_0 : i32, i32
  }
  func.func @transform_9(%arg0: i32) -> (i32, i32) {
    %c0_i32 = arith.constant 0 : i32
    %c0_i32_0 = arith.constant 0 : i32
    %c0_i32_1 = arith.constant 0 : i32
    return %c0_i32, %c0_i32_0 : i32, i32
  }
  func.func @transform_10(%arg0: i32) -> (i32, i32) {
    %c0_i32 = arith.constant 0 : i32
    %c0_i32_0 = arith.constant 0 : i32
    %c0_i32_1 = arith.constant 0 : i32
    return %c0_i32, %c0_i32_0 : i32, i32
  }
  func.func @transform_11(%arg0: i32) -> (i32, i32) {
    %c0_i32 = arith.constant 0 : i32
    %c0_i32_0 = arith.constant 0 : i32
    %c0_i32_1 = arith.constant 0 : i32
    return %c0_i32, %c0_i32_0 : i32, i32
  }
  func.func @transform_12(%arg0: i32) -> (i32, i32) {
    %c0_i32 = arith.constant 0 : i32
    %c0_i32_0 = arith.constant 0 : i32
    %c0_i32_1 = arith.constant 0 : i32
    return %c0_i32, %c0_i32_0 : i32, i32
  }
  func.func @transform_13(%arg0: i32) -> (i32, i32, i32) {
    %c0_i32 = arith.constant 0 : i32
    %c0_i32_0 = arith.constant 0 : i32
    %c0_i32_1 = arith.constant 0 : i32
    %c0_i32_2 = arith.constant 0 : i32
    return %c0_i32, %c0_i32_0, %c0_i32_1 : i32, i32, i32
  }
  func.func @transform_14(%arg0: i32) -> (i32, i32) {
    %c0_i32 = arith.constant 0 : i32
    %c0_i32_0 = arith.constant 0 : i32
    %c0_i32_1 = arith.constant 0 : i32
    return %c0_i32, %c0_i32_0 : i32, i32
  }
  func.func @transform_15(%arg0: i32) -> (i32, i32) {
    %c0_i32 = arith.constant 0 : i32
    %c0_i32_0 = arith.constant 0 : i32
    %c0_i32_1 = arith.constant 0 : i32
    return %c0_i32, %c0_i32_0 : i32, i32
  }
  func.func @transform_16(%arg0: i32) -> (i32, i32) {
    %c0_i32 = arith.constant 0 : i32
    %c0_i32_0 = arith.constant 0 : i32
    %c0_i32_1 = arith.constant 0 : i32
    return %c0_i32, %c0_i32_0 : i32, i32
  }
  func.func @transform_17(%arg0: i32) -> (i32, i32) {
    %c0_i32 = arith.constant 0 : i32
    %c0_i32_0 = arith.constant 0 : i32
    %c0_i32_1 = arith.constant 0 : i32
    return %c0_i32, %c0_i32_0 : i32, i32
  }
  func.func @transform_18(%arg0: i32) -> (i32, i32) {
    %c0_i32 = arith.constant 0 : i32
    %c0_i32_0 = arith.constant 0 : i32
    %c0_i32_1 = arith.constant 0 : i32
    return %c0_i32, %c0_i32_0 : i32, i32
  }
  func.func @transform_19(%arg0: i32) -> (i32, i32) {
    %c0_i32 = arith.constant 0 : i32
    %c0_i32_0 = arith.constant 0 : i32
    %c0_i32_1 = arith.constant 0 : i32
    return %c0_i32, %c0_i32_0 : i32, i32
  }
  func.func @transform_20(%arg0: i32) -> (i32, i32) {
    %c0_i32 = arith.constant 0 : i32
    %c0_i32_0 = arith.constant 0 : i32
    %c0_i32_1 = arith.constant 0 : i32
    return %c0_i32, %c0_i32_0 : i32, i32
  }
  func.func @transform_21(%arg0: i32) -> (i32, i32) {
    %c0_i32 = arith.constant 0 : i32
    %c0_i32_0 = arith.constant 0 : i32
    %c0_i32_1 = arith.constant 0 : i32
    return %c0_i32, %c0_i32_0 : i32, i32
  }
  func.func @transform_22(%arg0: i32) -> (i32, i32) {
    %c0_i32 = arith.constant 0 : i32
    %c0_i32_0 = arith.constant 0 : i32
    %c0_i32_1 = arith.constant 0 : i32
    return %c0_i32, %c0_i32_0 : i32, i32
  }
  func.func @transform_23(%arg0: i32) -> (i32, i32, i32) {
    %c0_i32 = arith.constant 0 : i32
    %c0_i32_0 = arith.constant 0 : i32
    %c0_i32_1 = arith.constant 0 : i32
    return %arg0, %c0_i32, %c0_i32_0 : i32, i32, i32
  }
  func.func @transform_24(%arg0: i32) -> (i32, i32, i32) {
    %c0_i32 = arith.constant 0 : i32
    %c0_i32_0 = arith.constant 0 : i32
    %c0_i32_1 = arith.constant 0 : i32
    return %arg0, %c0_i32, %c0_i32_0 : i32, i32, i32
  }
  func.func @transform_25(%arg0: i32) -> (i32, i32, i32) {
    %c0_i32 = arith.constant 0 : i32
    %c0_i32_0 = arith.constant 0 : i32
    %c0_i32_1 = arith.constant 0 : i32
    return %arg0, %c0_i32, %c0_i32_0 : i32, i32, i32
  }
  func.func @transform_26(%arg0: i32) -> (i32, i32, i32) {
    %c0_i32 = arith.constant 0 : i32
    %c0_i32_0 = arith.constant 0 : i32
    %c0_i32_1 = arith.constant 0 : i32
    return %arg0, %c0_i32, %c0_i32_0 : i32, i32, i32
  }
  func.func @transform_27(%arg0: i32) -> (i32, i32, i32) {
    %c0_i32 = arith.constant 0 : i32
    %c0_i32_0 = arith.constant 0 : i32
    %c0_i32_1 = arith.constant 0 : i32
    return %arg0, %c0_i32, %c0_i32_0 : i32, i32, i32
  }
  func.func @transform_28(%arg0: i32) -> (i32, i32, i32) {
    %c0_i32 = arith.constant 0 : i32
    %c0_i32_0 = arith.constant 0 : i32
    %c0_i32_1 = arith.constant 0 : i32
    return %arg0, %c0_i32, %c0_i32_0 : i32, i32, i32
  }
}

</mosaic_0001>

<sc_bundles>
// kernel: kernel.4.cloned.1.call-start
scs
__scs_entry_jumppad:
0x0: {  	(pc) =	sbr.rel $0x88, $3  }
0x1: {  	(tag) =	ssettag $0x0;
	lr =	simm.s32 $0x1  }
0x2: {  	[smem:$0x3F8A] =	sst lr;
	_ =	strace $0xD0000000  }
0x3: {  	_ = 	snop  }
0x4: {  	_ = 	snop  }
0x5: {  	_ = 	snop  }
0x6: {  	_ = 	snop  }
0x7: {  	_ = 	snop  }
__scs_overlays_trampoline_lowered:
0x8: {  	[smem:$0x3F99] =	sst s0  }
0x9: {  	[smem:$0x3F9A] =	sst s1  }
0xa: {  	[smem:$0x3F9B] =	sst s2  }
0xb: {  	[smem:$0x3F9C] =	sst s3  }
0xc: {  	[smem:$0x3F9D] =	sst s4  }
0xd: {  	[smem:$0x3F9E] =	sst s5  }
0xe: {  	[smem:$0x3F9F] =	sst s6  }
0xf: {  	[smem:$0x3FA0] =	sst s7  }
0x10: {  	[smem:$0x3FA1] =	sst s8  }
0x11: {  	[smem:$0x3FA2] =	sst s9;
	s0 =	simm.s32 @!p0 $0x0  }
0x12: {  	s1 =	sld [smem:$0x3F88];
	s0 =	simm.s32 @p0 $0x1  }
0x13: {  	[smem:$0x3FA3] =	sst s0;
	s0 =	simm.s32 @!p1 $0x0  }
0x14: {  	s2 =	sld [smem:$0x3F87];
	s0 =	simm.s32 @p1 $0x1  }
0x15: {  	[smem:$0x3FA4] =	sst s0;
	s0 =	simm.s32 @!p2 $0x0  }
0x16: {  	s3 =	sld [smem:$0x3FDB];
	s0 =	simm.s32 @p2 $0x1  }
0x17: {  	s4 =	simm.s32 $0x1BF5;
	[smem:$0x3FA6] =	sst s0  }
0x18: {  	s0 =	sld [smem:$0x3F89];
	_ =	swait.ge [sflag:s4], $0x0  }
0x19: {  	s7 =	sld [smem:$0x3F8A]  }
0x1a: {  	s8 =	sadd.s32 $0xFFFFE003, lr  }
0x1b: {  	s9 =	sadd.s32 $0xFFFFFEF7, lr;
	s5 =	simm.s32 $0xFFFFFFFF;
	p2 =	slt.u32 s8, $0xFFFFF086  }
0x1c: {  	p1 =	slt.u32 s9, $0xF7A;
	s5 =	simm.s32 @!p2 $0x0  }
0x1d: {  	s5 =	simm.s32 @p1 $0x1;
	p0 =	seq.s32 s7, s2  }
0x1e: {  	s7 =	smul.u32 @!p0 $0xF7A, s2;
	p2 =	seq.s32 @!p0 s5, $0x0  }
0x1f: {  	s9 =	smul.u32 $0xF7A, s1;
	s8 =	simm.s32 @!p0 $0x1BF5;
	p2 =	por !p2, p0  }
0x20: {  	[sflag:s8] =	ssyncset.s32 @!p0 $0xFFFFF086;
	s6 =	sadd.s32 @!p0 s3, s7;
	s7 =	simm.s32 @!p0 $0x108  }
0x21: {  	s3 =	sadd.s32 s3, s9;
	s6 =	sadd.s32 @!p0 $0x88, s6;
	s7 =	simm.s32 @p2 $0x1082  }
0x22: {  	[simem:s7], [sflag:s8] =	dma.local @!p0 [hbm:s6], $0xF7A  }
0x23: {  	s9 =	sor.u32 $0xD0000000, s2;
	s6 =	simm.s32 $0x108;
	_ =	swait.ge @!p0 [sflag:s8], $0x0  }
0x24: {  	s3 =	sadd.s32 $0x88, s3;
	s6 =	simm.s32 @!p1 $0x1082;
	[sflag:s4] =	ssyncset.s32 $0xFFFFF086  }
0x25: {  	[simem:s6], [sflag:s4] =	dma.local [hbm:s3], $0xF7A  }
0x26: {  	[smem:$0x3F8A] =	sst s1;
	(tag) =	ssettag s2;
	_ =	strace s9  }
0x27: {  	s1 =	sld [smem:$0x3F9A]  }
0x28: {  	s2 =	sld [smem:$0x3F9B]  }
0x29: {  	s4 =	sld [smem:$0x3F9D]  }
0x2a: {  	p0 =	seq.s32 s5, $0x0;
	s5 =	sld [smem:$0x3F9E]  }
0x2b: {  	s6 =	sld [smem:$0x3F9F]  }
0x2c: {  	s7 =	sld [smem:$0x3FA0]  }
0x2d: {  	s3 =	simm.s32 $0x108;
	s8 =	sld [smem:$0x3FA1]  }
0x2e: {  	s3 =	simm.s32 @!p0 $0x1082;
	s9 =	sld [smem:$0x3FA2]  }
0x2f: {  	lr =	sadd.s32 s0, s3;
	s0 =	sld [smem:$0x3F99]  }
0x30: {  	s3 =	sld [smem:$0x3F9C]  }
0x31: {  	[smem:$0x3FA5] =	sst s10  }
0x32: {  	s10 =	sld [smem:$0x3FA3];
	_ =	sdelay $0x3  }
0x33: {  	p0 =	seq.s32 s10, $0x1;
	s10 =	sld [smem:$0x3FA5];
	_ =	sdelay $0x3  }
0x34: {  	[smem:$0x3FA5] =	sst s10  }
0x35: {  	s10 =	sld [smem:$0x3FA4];
	_ =	sdelay $0x3  }
0x36: {  	p1 =	seq.s32 s10, $0x1;
	s10 =	sld [smem:$0x3FA5];
	_ =	sdelay $0x3  }
0x37: {  	[smem:$0x3FA5] =	sst s10  }
0x38: {  	s10 =	sld [smem:$0x3FA6]  }
0x39: {  	_ = 	snop;
	(pc) =	sbr.ind lr, $3  }
0x3a: {  	_ = 	snop  }
0x3b: {  	_ = 	snop  }
0x3c: {  	p2 =	seq.s32 s10, $0x1;
	s10 =	sld [smem:$0x3FA5]  }
0x3d: {  	_ =	shalt  }
0x3e: {  	_ =	shalt  }
0x3f: {  	_ =	shalt  }
0x40: {  	_ =	shalt  }
0x41: {  	_ =	shalt  }
0x42: {  	_ =	shalt  }
0x43: {  	_ =	shalt  }
0x44: {  	_ =	shalt  }
0x45: {  	_ =	shalt  }
0x46: {  	_ =	shalt  }
0x47: {  	_ =	shalt  }
0x48: {  	_ =	shalt  }
0x49: {  	_ =	shalt  }
0x4a: {  	_ =	shalt  }
0x4b: {  	_ =	shalt  }
0x4c: {  	_ =	shalt  }
0x4d: {  	_ =	shalt  }
0x4e: {  	_ =	shalt  }
0x4f: {  	_ =	shalt  }
0x50: {  	_ =	shalt  }
0x51: {  	_ =	shalt  }
0x52: {  	_ =	shalt  }
0x53: {  	_ =	shalt  }
0x54: {  	_ =	shalt  }
0x55: {  	_ =	shalt  }
0x56: {  	_ =	shalt  }
0x57: {  	_ =	shalt  }
0x58: {  	_ =	shalt  }
0x59: {  	_ =	shalt  }
0x5a: {  	_ =	shalt  }
0x5b: {  	_ =	shalt  }
0x5c: {  	_ =	shalt  }
0x5d: {  	_ =	shalt  }
0x5e: {  	_ =	shalt  }
0x5f: {  	_ =	shalt  }
0x60: {  	_ =	shalt  }
0x61: {  	_ =	shalt  }
0x62: {  	_ =	shalt  }
0x63: {  	_ =	shalt  }
0x64: {  	_ =	shalt  }
0x65: {  	_ =	shalt  }
0x66: {  	_ =	shalt  }
0x67: {  	_ =	shalt  }
0x68: {  	_ =	shalt  }
0x69: {  	_ =	shalt  }
0x6a: {  	_ =	shalt  }
0x6b: {  	_ =	shalt  }
0x6c: {  	_ =	shalt  }
0x6d: {  	_ =	shalt  }
0x6e: {  	_ =	shalt  }
0x6f: {  	_ =	shalt  }
0x70: {  	_ =	shalt  }
0x71: {  	_ =	shalt  }
0x72: {  	_ =	shalt  }
0x73: {  	_ =	shalt  }
0x74: {  	_ =	shalt  }
0x75: {  	_ =	shalt  }
0x76: {  	_ =	shalt  }
0x77: {  	_ =	shalt  }
0x78: {  	_ =	shalt  }
0x79: {  	_ =	shalt  }
0x7a: {  	_ =	shalt  }
0x7b: {  	_ =	shalt  }
0x7c: {  	_ =	shalt  }
0x7d: {  	_ =	shalt  }
0x7e: {  	_ =	shalt  }
0x7f: {  	_ =	shalt  }
0x80: {  	_ =	shalt  }
0x81: {  	_ =	shalt  }
0x82: {  	_ =	shalt  }
0x83: {  	_ =	shalt  }
0x84: {  	_ =	shalt  }
0x85: {  	_ =	shalt  }
0x86: {  	_ =	shalt  }
0x87: {  	_ =	shalt  }
.Lfunc_end0:
.L_simem_size_0:
called_computation_lowered:
.L_overlay_start_0:
0x88: {  	s0 =	sld [smem:$0x3FD9]  }
0x89: {  	s1 =	sld [smem:$0x3FFE];
	_ =	sdelay $0x3  }
0x8a: {  	s0 =	sadd.s32 s1, s0  }
0x8b: {  	[smem:$0x3FB1] =	sst s0  }
0x8c: {  	_ = 	snop  }
0x8d: {  	(tm) =	ssettm $0x1  }
0x8e: {  	s15 =	sld [smem:$0x3FFB];
	_ =	sdelay $0x3  }
0x8f: {  	_ =	strace s15  }
0x90: {  	s0 =	sld [smem:$0x3FFC];
	_ =	sdelay $0x3  }
0x91: {  	_ =	strace s0  }
0x92: {  	s0 =	sld [smem:$0x3FFD];
	_ =	sdelay $0x3  }
0x93: {  	_ =	strace s0  }
0x94: {  	_ =	strace $0x8FFFFFFF  }
0x95: {  	s16 =	sld [smem:$0x3FDB];
	_ =	sdelay $0x1  }
0x96: {  	s17 =	simm.s32 $_scs_section_size  }
0x97: {  	s2 =	simm.s32 $_size__tile_overlayer_lowered;
	s3 =	simm.s32 $_tile_overlayer_lowered  }
0x98: {  	s20 =	simm.s32 $0x1BFF;
	s19 =	sshll.u32 s3, $0x1;
	s0 =	sadd.s32 s17, s16  }
0x99: {  	s4 =	simm.s32 $0x0;
	s18 =	sshll.u32 s2, $0x1;
	s2 =	sadd.s32 s19, s0  }
0x9a: {  	[timem:s4], [sflag:s20] =	dma.local [hbm:s2], s18  }
0x9b: {  	_ =	swait.ge [sflag:s20], s18  }
0x9c: {  	s1 =	ssub.s32 $0x0, s18;
	[sflag:s20] =	ssyncset.done $0x0  }
0x9d: {  	[sflag:s20] =	ssyncadd.s32 s1;
	_ =	sdelay $0x1  }
0x9e: {  	s21 =	simm.s32 $0x1B8B  }
0x9f: {  	_ =	swait.ge [sflag:s21], $0x1  }
0xa0: {  	[sflag:s21] =	ssyncset.done $0x0  }
0xa1: {  	s23 =	simm.s32 $0x1B8E;
	s22 =	sld [smem:$0x3FFE];
	[sflag:s21] =	ssyncadd.s32 $0xFFFFFFFF  }
0xa2: {  	s24 =	simm.s32 $execute0_lowered;
	[smem:$0x3FD2] =	sst s23  }
0xa3: {  	s2 =	sshll.u32 s24, $0x1;
	_ =	strace $0x80000046;
	[dreg:$0x1] =	wrdreg $0xFFFFFFFF  }
0xa4: {  	s25 =	simm.s32 $_size_execute0_lowered;
	s0 =	sadd.s32 s0, s2;
	[dreg:$0x0] =	wrdreg $0x0  }
0xa5: {  	s2 =	sshll.u32 s25, $0x1;
	[dreg:$0x2] =	wrdreg s0  }
0xa6: {  	[dreg:$0x3] =	wrdreg s2  }
0xa7: {  	[dreg:$0x4] =	wrdreg $0xC0  }
0xa8: {  	_ =	task [dreg:s4], $0x5FFFF  }
0xa9: {  	[dreg:$0x1] =	wrdreg $0xFFFFFFFF  }
0xaa: {  	[dreg:$0x0] =	wrdreg $0x60  }
0xab: {  	[dreg:$0x2] =	wrdreg s22  }
0xac: {  	[dreg:$0x3] =	wrdreg $0x9  }
0xad: {  	_ =	task.clear_ibuf [dreg:s4], $0x4FFFF;
	_ =	strace $0x90000046  }
0xae: {  	s26 =	simm.s32 $0x9;
	_ =	strace $0x80000048  }
0xaf: {  	_ =	swait.ge [sflag:s26], $0x1  }
0xb0: {  	[sflag:s26] =	ssyncadd.s32 $0xFFFFFFFF  }
0xb1: {  	_ =	strace $0x90000048  }
0xb2: {  	_ =	sfence  }
0xb3: {  	s28 =	sld [smem:$0x0];
	_ =	sdelay $0x1  }
0xb4: {  	s29 =	srdreg.scid  }
0xb5: {  	s30 =	sshll.u32 s29, $0xD;
	s31 =	sshrl.u32 s29, $0x2  }
0xb6: {  	s1 =	sand.u32 $0x1, s29;
	s2 =	sand.u32 $0x4000, s30;
	s0 =	sadd.s32 s31, s28  }
0xb7: {  	s1 =	sor.u32 s2, s1;
	s0 =	sshll.u32 s0, $0x11  }
0xb8: {  	s0 =	sor.u32 s0, s1  }
0xb9: {  	s0 =	sadd.s32 $0x8F2B, s0  }
0xba: {  	[sflag:s0] =	ssyncadd.remote.s32 $0x1  }
0xbb: {  	_ =	sfence.sel $0xFFFF  }
0xbc: {  	[dreg:$0x0] =	wrdreg $0xFFFFFFFF;
	(pc) =	sbr.abs _section_cstart, $3  }
0xbd: {  	[dreg:$0x1] =	wrdreg $0xFFFFFFFF  }
0xbe: {  	_ =	task.clear_ibuf [dreg:s4], $0x2FFFF;
	_ =	strace $0x9FFFFFFF  }
0xbf: {  	(tm) =	ssettm $0x7FFFFFFF  }
tec
execute0_lowered:
.L_overlay_start_1:
0x0: {  	(tag) =	ssettag $0x1  }
0x1: {  	s1 =	rddreg [dreg:$0x0]  }
0x2: {  	s0 =	rddreg [dreg:$0x1];
	s2 =	simm.s32 $0x0  }
0x3: {  	[smem:$0x7FF] =	sst s2  }
0x4: {  	s31 =	simm.s32 $0x1;
	s3 =	sadd.s32 $0x2400, s1;
	_ =	strace $0x80000047  }
0x5: {  	[tilespmem:s2], [sflag:$0x1] =	stream.linear.gather [hbm4b:s3+s2], $0x6E80, $0x38;
	[tilespmem:$0x1A100] =	vst v63  }
0x6: {  	_ =	swait.ge [sflag:s31], $0x6E80  }
0x7: {  	[sflag:s31] =	ssyncset.done $0x0  }
0x8: {  	s5 =	simm.s32 $0x6E80;
	s4 =	sadd.s32 $0x1600, s1;
	[sflag:s31] =	ssyncadd.s32 $0xFFFF9180  }
0x9: {  	[tilespmem:s5], [sflag:$0x1] =	stream.linear.gather [hbm4b:s4+s2], $0x6E80, $0x38;
	[tilespmem:$0x1A100] =	vst v63  }
0xa: {  	_ =	swait.ge [sflag:s31], $0x6E80  }
0xb: {  	s3 =	simm.s32 $0x0;
	s2 =	sadd.s32 $0x3200, s1;
	[sflag:s31] =	ssyncset.done $0x0  }
0xc: {  	v0 =	vimm.f32 $0.0e+00;
	s1 =	stileid.u32;
	s4 =	simm.s32 $0x200;
	[sflag:s31] =	ssyncadd.s32 $0xFFFF9180  }
.LBB2_1:
0xd: {  	p0 =	sne.s32 s4, $0x30E00;
	[tilespmem:s3+$0xDD70] =	vst v0  }
0xe: {  	[tilespmem:s3+$0xDD00] =	vst v0  }
0xf: {  	[tilespmem:s3+$0xDD10] =	vst v0  }
.Ltmp0:
0x10: {  	[tilespmem:s3+$0xDD20] =	vst v0;
	(pc) =	sbr.rel @p0 .LBB2_1-.Ltmp0, $4  }
0x11: {  	[tilespmem:s3+$0xDD30] =	vst v0  }
0x12: {  	[tilespmem:s3+$0xDD40] =	vst v0  }
0x13: {  	[tilespmem:s3+$0xDD50] =	vst v0  }
0x14: {  	[tilespmem:s3+$0xDD60] =	vst v0;
	s3 =	sshra.s32 s4, $0x2;
	s4 =	sadd.s32 $0x200, s4  }
0x15: {  	[tilespmem:s3+$0xDD70] =	vst v0  }
0x16: {  	[tilespmem:s3+$0xDD00] =	vst v0  }
0x17: {  	[tilespmem:s3+$0xDD10] =	vst v0  }
0x18: {  	[tilespmem:s3+$0xDD20] =	vst v0  }
0x19: {  	[tilespmem:s3+$0xDD30] =	vst v0  }
0x1a: {  	[tilespmem:s3+$0xDD40] =	vst v0;
	s4 =	smul.u32 $0x38, s1  }
0x1b: {  	[tilespmem:s3+$0xDD50] =	vst v0  }
0x1c: {  	[tilespmem:s3+$0xDD60] =	vst v0;
	s3 =	simm.s32 $0x0;
	v1 =	vimm.f32 $1.000000000e+00;
	v0 =	vmov s4;
	s4 =	simm.s32 $0xDD00  }
.LBB2_3:
0x1d: {  	s5 =	sshra.s32 s3, $0x2  }
0x1e: {  	v2 =	vld [tilespmem:s5+$0x6E80];
	_ =	sdelay $0x2  }
0x1f: {  	v3 =	vld [tilespmem:s5+$0x0];
	_ =	sdelay $0x1  }
0x20: {  	v2 =	vsub.s32 v2, v0  }
0x21: {  	v4 =	vmul.u32 $0x380, v2  }
0x22: {  	vm0 =	vlt.u32 v2, $0x38  }
0x23: {  	v2 =	vadd.s32 v3, v4;
	_ =	sdelay $0x4  }
0x24: {  	[tilespmem:v2+s4+$0x0] =	vst.idx.add.f32.msk vm0, v1  }
0x25: {  	v2 =	vld [tilespmem:s5+$0x6E90];
	_ =	sdelay $0x2  }
0x26: {  	v3 =	vld [tilespmem:s5+$0x10];
	_ =	sdelay $0x1  }
0x27: {  	v2 =	vsub.s32 v2, v0  }
0x28: {  	v57 =	vmul.u32 $0x380, v2  }
0x29: {  	vm9 =	vlt.u32 v2, $0x38  }
0x2a: {  	v2 =	vadd.s32 v3, v57;
	_ =	sdelay $0x4  }
0x2b: {  	[tilespmem:v2+s4+$0x0] =	vst.idx.add.f32.msk vm9, v1  }
0x2c: {  	v2 =	vld [tilespmem:s5+$0x6EA0];
	_ =	sdelay $0x2  }
0x2d: {  	v3 =	vld [tilespmem:s5+$0x20];
	_ =	sdelay $0x1  }
0x2e: {  	v2 =	vsub.s32 v2, v0  }
0x2f: {  	v58 =	vmul.u32 $0x380, v2  }
0x30: {  	vm10 =	vlt.u32 v2, $0x38  }
0x31: {  	v2 =	vadd.s32 v3, v58;
	_ =	sdelay $0x4  }
0x32: {  	[tilespmem:v2+s4+$0x0] =	vst.idx.add.f32.msk vm10, v1  }
0x33: {  	v2 =	vld [tilespmem:s5+$0x6EB0];
	_ =	sdelay $0x2  }
0x34: {  	v3 =	vld [tilespmem:s5+$0x30];
	_ =	sdelay $0x1  }
0x35: {  	v2 =	vsub.s32 v2, v0  }
0x36: {  	v59 =	vmul.u32 $0x380, v2  }
0x37: {  	vm11 =	vlt.u32 v2, $0x38  }
0x38: {  	v2 =	vadd.s32 v3, v59;
	_ =	sdelay $0x4  }
0x39: {  	[tilespmem:v2+s4+$0x0] =	vst.idx.add.f32.msk vm11, v1  }
0x3a: {  	v2 =	vld [tilespmem:s5+$0x6EC0];
	_ =	sdelay $0x2  }
0x3b: {  	v3 =	vld [tilespmem:s5+$0x40];
	_ =	sdelay $0x1  }
0x3c: {  	v2 =	vsub.s32 v2, v0  }
0x3d: {  	v60 =	vmul.u32 $0x380, v2  }
0x3e: {  	vm12 =	vlt.u32 v2, $0x38  }
0x3f: {  	v2 =	vadd.s32 v3, v60;
	_ =	sdelay $0x4  }
0x40: {  	[tilespmem:v2+s4+$0x0] =	vst.idx.add.f32.msk vm12, v1  }
0x41: {  	v2 =	vld [tilespmem:s5+$0x6ED0];
	_ =	sdelay $0x2  }
0x42: {  	v3 =	vld [tilespmem:s5+$0x50];
	_ =	sdelay $0x1  }
0x43: {  	v2 =	vsub.s32 v2, v0  }
0x44: {  	v61 =	vmul.u32 $0x380, v2  }
0x45: {  	vm13 =	vlt.u32 v2, $0x38  }
0x46: {  	v2 =	vadd.s32 v3, v61;
	_ =	sdelay $0x4  }
0x47: {  	[tilespmem:v2+s4+$0x0] =	vst.idx.add.f32.msk vm13, v1  }
0x48: {  	v2 =	vld [tilespmem:s5+$0x6EE0];
	_ =	sdelay $0x2  }
0x49: {  	v3 =	vld [tilespmem:s5+$0x60];
	_ =	sdelay $0x1  }
0x4a: {  	v2 =	vsub.s32 v2, v0  }
0x4b: {  	v62 =	vmul.u32 $0x380, v2  }
0x4c: {  	vm14 =	vlt.u32 v2, $0x38  }
0x4d: {  	v2 =	vadd.s32 v3, v62;
	_ =	sdelay $0x4  }
0x4e: {  	[tilespmem:v2+s4+$0x0] =	vst.idx.add.f32.msk vm14, v1  }
0x4f: {  	v2 =	vld [tilespmem:s5+$0x6EF0];
	_ =	sdelay $0x2  }
0x50: {  	v3 =	vld [tilespmem:s5+$0x70];
	_ =	sdelay $0x1  }
0x51: {  	v2 =	vsub.s32 v2, v0  }
0x52: {  	v63 =	vmul.u32 $0x380, v2  }
0x53: {  	vm15 =	vlt.u32 v2, $0x38  }
0x54: {  	p0 =	sne.s32 s3, $0x1B600;
	v2 =	vadd.s32 v3, v63  }
.Ltmp1:
0x55: {  	_ = 	snop;
	(pc) =	sbr.rel @p0 .LBB2_3-.Ltmp1, $2  }
0x56: {  	_ =	sdelay $0x2  }
0x57: {  	s3 =	sadd.s32 $0x200, s3;
	[tilespmem:v2+s4+$0x0] =	vst.idx.add.f32.msk vm15, v1  }
0x58: {  	v1 =	vld [tilespmem:$0xDC80];
	_ =	sdelay $0x2  }
0x59: {  	v2 =	vld [tilespmem:$0x6E00];
	_ =	sdelay $0x1  }
0x5a: {  	v1 =	vsub.s32 v1, v0  }
0x5b: {  	v3 =	vmul.u32 $0x380, v1  }
0x5c: {  	vm0 =	vlt.u32 v1, $0x38  }
0x5d: {  	v48 =	vadd.s32 v2, v3;
	_ =	sdelay $0x3  }
0x5e: {  	v49 =	vimm.f32 $1.000000000e+00;
	s3 =	simm.s32 $0xDD00  }
0x5f: {  	[tilespmem:v48+s3+$0x0] =	vst.idx.add.f32.msk vm0, v49  }
0x60: {  	v1 =	vld [tilespmem:$0xDC90];
	_ =	sdelay $0x2  }
0x61: {  	v50 =	vld [tilespmem:$0x6E10];
	_ =	sdelay $0x1  }
0x62: {  	v1 =	vsub.s32 v1, v0  }
0x63: {  	v4 =	vmul.u32 $0x380, v1  }
0x64: {  	vm11 =	vlt.u32 v1, $0x38  }
0x65: {  	v51 =	vadd.s32 v50, v4;
	_ =	sdelay $0x4  }
0x66: {  	[tilespmem:v51+s3+$0x0] =	vst.idx.add.f32.msk vm11, v49  }
0x67: {  	v1 =	vld [tilespmem:$0xDCA0];
	_ =	sdelay $0x2  }
0x68: {  	v52 =	vld [tilespmem:$0x6E20];
	_ =	sdelay $0x1  }
0x69: {  	v1 =	vsub.s32 v1, v0  }
0x6a: {  	v53 =	vmul.u32 $0x380, v1  }
0x6b: {  	vm12 =	vlt.u32 v1, $0x38  }
0x6c: {  	v54 =	vadd.s32 v52, v53;
	_ =	sdelay $0x4  }
0x6d: {  	[tilespmem:v54+s3+$0x0] =	vst.idx.add.f32.msk vm12, v49  }
0x6e: {  	v1 =	vld [tilespmem:$0xDCB0];
	_ =	sdelay $0x2  }
0x6f: {  	v55 =	vld [tilespmem:$0x6E30];
	_ =	sdelay $0x1  }
0x70: {  	v1 =	vsub.s32 v1, v0  }
0x71: {  	v56 =	vmul.u32 $0x380, v1  }
0x72: {  	vm13 =	vlt.u32 v1, $0x38  }
0x73: {  	v57 =	vadd.s32 v55, v56;
	_ =	sdelay $0x4  }
0x74: {  	[tilespmem:v57+s3+$0x0] =	vst.idx.add.f32.msk vm13, v49  }
0x75: {  	v1 =	vld [tilespmem:$0xDCC0];
	_ =	sdelay $0x2  }
0x76: {  	v58 =	vld [tilespmem:$0x6E40];
	_ =	sdelay $0x1  }
0x77: {  	v1 =	vsub.s32 v1, v0  }
0x78: {  	v59 =	vmul.u32 $0x380, v1  }
0x79: {  	vm14 =	vlt.u32 v1, $0x38  }
0x7a: {  	v60 =	vadd.s32 v58, v59;
	_ =	sdelay $0x4  }
0x7b: {  	[tilespmem:v60+s3+$0x0] =	vst.idx.add.f32.msk vm14, v49  }
0x7c: {  	v1 =	vld [tilespmem:$0xDCD0];
	_ =	sdelay $0x2  }
0x7d: {  	v61 =	vld [tilespmem:$0x6E50];
	_ =	sdelay $0x1  }
0x7e: {  	v62 =	vsub.s32 v1, v0  }
0x7f: {  	v1 =	vmul.u32 $0x380, v62  }
0x80: {  	vm15 =	vlt.u32 v62, $0x38  }
0x81: {  	v63 =	vadd.s32 v61, v1;
	_ =	sdelay $0x2  }
0x82: {  	s4 =	smul.u32 $0x1880, s1;
	_ =	sdelay $0x1  }
0x83: {  	s30 =	simm.s32 $0x0;
	s31 =	simm.s32 $0x1;
	s2 =	sadd.s32 s2, s4;
	[tilespmem:v63+s3+$0x0] =	vst.idx.add.f32.msk vm15, v49  }
0x84: {  	[hbm4b:s2+s30] =	stream.linear.scatter [tilespmem:s3], [sflag:$0x1], $0xC400, $0x38;
	[tilespmem:$0x1A100] =	vst v63  }
0x85: {  	_ =	swait.ge [sflag:s31], $0xC400  }
0x86: {  	[sflag:s31] =	ssyncset.done $0x0  }
0x87: {  	[sflag:s31] =	ssyncadd.s32 $0xFFFF3C00  }
0x88: {  	_ =	sfence.sel $0x180000  }
0x89: {  	[bflag:$0x0] =	sbarrier.arrive $0xFFFF  }
0x8a: {  	p0 =	sne.s32 s1, $0x0;
	_ =	strace $0x90000047  }
0x8b: {  	s0 =	sadd.s32 @!p0 $0x100000, s0;
	[bflag:$0x2] =	sbarrier.arrive $0xFFFF  }
0x8c: {  	[sflag:s0] =	ssyncadd.tile.s32 @!p0 $0x1;
	_ =	shalt  }
.Lfunc_end2:
_tile_overlayer_lowered:
.L_overlay_start_2:
0x8d: {  	(tag) =	ssettag $0x2  }
0x8e: {  	s0 =	rddreg [dreg:$0x0];
	s2 =	stileid.u32  }
0x8f: {  	s1 =	rddreg [dreg:$0x1];
	p0 =	sne.s32 s2, $0x0  }
0x90: {  	s3 =	rddreg [dreg:$0x2];
	[bflag:$0x3] =	sbarrier.arrive $0xFFFF;
	s2 =	simm.s32 @!p0 $0x1C01  }
0x91: {  	[timem:s3], [sflag:s2] =	dma.local @!p0 [hbm:s0], s1  }
0x92: {  	s0 =	simm.s32 @!p0 $0x1  }
0x93: {  	_ =	swait.ge @!p0 [sflag:s0], s1  }
0x94: {  	s1 =	ssub.s32 @!p0 $0x0, s1;
	[sflag:s0] =	ssyncset.done @!p0 $0x0  }
0x95: {  	[sflag:s0] =	ssyncadd.s32 @!p0 s1  }
0x96: {  	[bflag:$0x3] =	sbarrier.arrive $0xFFFF  }
0x97: {  	_ =	shalt  }

</sc_bundles>
